<compile_context>
chip_gen: v7x
topology: tpu7x:2x2x1
jax: 0.10.2.dev20260603
libtpu: 0.0.44.dev20260713+nightly
codegen_flags: <defaults>
</compile_context>

<pallas_src>
import functools

import jax
import jax.numpy as jnp
from jax import lax
from jax.experimental import pallas as pl
from jax.experimental.pallas import tpu as pltpu
from jax.experimental.pallas import tpu_sc as plsc

GAMMA_ = 0.01
B_, G_, S_, L_ = 64, 4096, 32, 4
LANES = 16
NSLAB = B_ // LANES
NPART = 32 // NSLAB
GPT = G_ // NPART
GC = 64
NCHUNK = GPT // GC
PW = S_ * L_ // 2

_LN2 = 0.6931471805599453
_INV_GAMMA = 1.0 / GAMMA_


def _sc_log(v):
    bits = lax.bitcast_convert_type(v, jnp.int32)
    e = ((bits >> 23) & 0xFF) - 127
    m = lax.bitcast_convert_type((bits & 0x007FFFFF) | 0x3F800000,
                                 jnp.float32)
    z = (m - 1.0) / (m + 1.0)
    z2 = z * z
    p = 1.0 / 9.0 + z2 * (1.0 / 11.0)
    p = 1.0 / 7.0 + z2 * p
    p = 1.0 / 5.0 + z2 * p
    p = 1.0 / 3.0 + z2 * p
    p = 1.0 + z2 * p
    return e.astype(jnp.float32) * _LN2 + 2.0 * z * p


def _clause_body(xt_hbm, idx_hbm, out_hbm, table_v, idx_v, conj_v, out_v,
                 idx_sems):
    wid = lax.axis_index("s") * 2 + lax.axis_index("c")
    bslab = lax.rem(wid, NSLAB)
    gpart = lax.div(wid, NSLAB)
    g0 = gpart * GPT
    b0 = bslab * LANES

    row_iota = lax.broadcasted_iota(jnp.int32, (LANES,), 0)

    pltpu.sync_copy(xt_hbm.at[pl.ds(bslab * (G_ * LANES), G_ * LANES)],
                    table_v)

    def issue_idx(c, par):
        pltpu.async_copy(idx_hbm.at[pl.ds(g0 + c * GC, GC)],
                         idx_v.at[par], idx_sems.at[par])

    def wait_idx(c, par):
        pltpu.make_async_copy(idx_hbm.at[pl.ds(g0 + c * GC, GC)],
                              idx_v.at[par], idx_sems.at[par]).wait()

    issue_idx(0, 0)

    @pl.loop(0, NCHUNK)
    def _chunk(c):
        par = lax.rem(c, 2)

        @pl.when(c < NCHUNK - 1)
        def _():
            issue_idx(c + 1, 1 - par)

        wait_idx(c, par)

        @pl.loop(0, GC)
        def _atom(gl):
            iv = [idx_v[par, gl, pl.ds(k * LANES, LANES)] for k in range(4)]

            conj = []
            mx = None
            for s in range(S_):
                e0 = iv[(2 * s) // LANES][(2 * s) % LANES]
                e1 = iv[(2 * s + 1) // LANES][(2 * s + 1) % LANES]
                c0 = table_v[pl.ds(e0 & 0xFFFF, LANES)]
                c1 = table_v[pl.ds(lax.shift_right_logical(e0, 16), LANES)]
                c2 = table_v[pl.ds(e1 & 0xFFFF, LANES)]
                c3 = table_v[pl.ds(lax.shift_right_logical(e1, 16), LANES)]
                cv = (c0 * c1) * (c2 * c3)
                conj_v[s, :] = cv
                mx = cv if mx is None else jnp.maximum(mx, cv)
            acc = None
            for s in range(S_):
                ev = jnp.exp((conj_v[s] - mx) * _INV_GAMMA)
                acc = ev if acc is None else acc + ev
            res = mx + GAMMA_ * _sc_log(acc)
            col = jnp.full((LANES,), gl, jnp.int32)
            plsc.store_scatter(out_v, [row_iota, col], res)

        pltpu.sync_copy(out_v,
                        out_hbm.at[pl.ds(b0, LANES),
                                   pl.ds(g0 + c * GC, GC)])


@jax.jit
def kernel(x, I_i):
    xt = (x.T.reshape(G_, NSLAB, LANES).transpose(1, 0, 2)
          .reshape(NSLAB * G_ * LANES))
    ii = I_i.astype(jnp.uint32).reshape(G_, PW, 2) * LANES
    idxp = (ii[:, :, 0] | (ii[:, :, 1] << 16)).astype(jnp.int32)

    mesh = plsc.VectorSubcoreMesh(core_axis_name="c", subcore_axis_name="s")
    run = functools.partial(
        pl.kernel,
        out_type=jax.ShapeDtypeStruct((B_, G_), jnp.float32),
        mesh=mesh,
        compiler_params=pltpu.CompilerParams(use_tc_tiling_on_sc=False,
                                             needs_layout_passes=False),
        scratch_types=[
            pltpu.VMEM((G_ * LANES,), jnp.float32),
            pltpu.VMEM((2, GC, PW), jnp.int32),
            pltpu.VMEM((S_, LANES), jnp.float32),
            pltpu.VMEM((LANES, GC), jnp.float32),
            pltpu.SemaphoreType.DMA((2,)),
        ],
    )(_clause_body)
    return run(xt, idxp)

# --- scband reference (transcript-rebuilt; emitter-appended) ---
"""Pipeline reference for scband-clause-function-28260884808448 (READ-ONLY COPY).

The authoritative reference and input builder live on the scoring server;
editing this copy changes nothing except your own understanding.
"""

import jax, jax.numpy as jnp
import numpy as np

GAMMA = 0.01
B, G, S, L = 64, 4096, 32, 4


def softor(xs, axis, gamma):
    # standard differentiable-OR used in aILP: gamma * logsumexp(x / gamma)
    return gamma * jax.nn.logsumexp(xs / gamma, axis=axis)


def setup_inputs(seed: int = 0) -> dict:
    key = jax.random.key(seed)
    k1, k2 = jax.random.split(key)
    # valuation vector: probabilities of ground atoms in [0, 1)
    x = jax.random.uniform(k1, (B, G), dtype=jnp.float32)
    # clause index tensor I_i[g, s, l] = index of the atom that literal l of
    # substitution s of the clause deriving atom g refers to
    I_i = jax.random.randint(k2, (G, S, L), 0, G, dtype=jnp.int64)
    return {"x": x, "I_i": I_i}


def reference(x, I_i):
    # torch: V_tild[b,g,s,l] = x[b,g]; gather along dim 1 with I_i_tild
    # => gathered[b,g,s,l] = x[b, I_i[g,s,l]]
    gathered = x[:, I_i]                       # [B, G, S, L]  (big gather)
    conj = jnp.prod(gathered, axis=3)          # AND over body literals -> [B, G, S]
    C = softor(conj, axis=2, gamma=GAMMA)      # soft OR over substitutions -> [B, G]
    return C

if __name__ == "__main__":
    import jax
    _d = setup_inputs()
    print(jax.jit(kernel)(*tuple(_d.values())))

</pallas_src>

<mosaic_0001>
#map = affine_map<(d0, d1) -> (0)>
#map1 = affine_map<(d0, d1) -> (0, 0)>
module attributes {stable_mosaic.version = 14 : i64} {
  func.func @_clause_body(%arg0: i32, %arg1: i32, %arg2: memref<262144xf32, #tpu.memory_space<hbm>>, %arg3: memref<4096x64xi32, #tpu.memory_space<hbm>>, %arg4: memref<64x4096xf32, #tpu.memory_space<hbm>>, %arg5: memref<65536xf32, #tpu.memory_space<vmem>>, %arg6: memref<2x64x64xi32, #tpu.memory_space<vmem>>, %arg7: memref<32x16xf32, #tpu.memory_space<vmem>>, %arg8: memref<16x64xf32, #tpu.memory_space<vmem>>, %arg9: memref<2x!tpu.dma_semaphore, #tpu.memory_space<semaphore_mem>>) attributes {dimension_semantics = [#tpu.dimension_semantics<core_parallel>, #tpu.dimension_semantics<subcore_parallel>], iteration_bounds = array<i64: 2, 16>, scalar_prefetch = 0 : i64, scratch_operands = 5 : i64, tpu.core_type = #tpu.core_type<sc_vector_subcore>, window_params = [{transform_indices = #map}, {transform_indices = #map1}, {transform_indices = #map1}]} {
    %mul3A = arith.constant 2 : i32
    %mul3A_0 = arith.muli %arg1, %mul3A : i32
    %add3A = arith.addi %mul3A_0, %arg0 : i32
    %rem3A = arith.constant 4 : i32
    %rem3A_1 = arith.remsi %add3A, %rem3A : i32
    %div3A = arith.constant 4 : i32
    %div3A_2 = arith.divsi %add3A, %div3A : i32
    %mul3A_3 = arith.constant 512 : i32
    %mul3A_4 = arith.muli %div3A_2, %mul3A_3 : i32
    %mul3A_5 = arith.constant 16 : i32
    %mul3A_6 = arith.muli %rem3A_1, %mul3A_5 : i32
    %iota3A = tpu.iota {dimensions = array<i32: 0>} : vector<16xi32>
    %mul3A_7 = arith.constant 65536 : i32
    %mul3A_8 = arith.muli %rem3A_1, %mul3A_7 : i32
    "tpu.region"() ({
      %run_scoped3A = tpu.sem_alloc : memref<!tpu.dma_semaphore, #tpu.memory_space<semaphore_mem>>
      %dma_start3A_30 = tpu.memref_slice %arg2[%mul3A_8] : memref<262144xf32, #tpu.memory_space<hbm>> -> memref<65536xf32, #tpu.memory_space<hbm>>
      %dma_start3A_31 = tpu.memref_slice %arg2[%mul3A_8] : memref<262144xf32, #tpu.memory_space<hbm>> -> memref<65536xf32, #tpu.memory_space<hbm>>
      tpu.enqueue_dma source(%dma_start3A_31 : memref<65536xf32, #tpu.memory_space<hbm>>) target(%arg5 : memref<65536xf32, #tpu.memory_space<vmem>>) target_semaphore(%run_scoped3A : memref<!tpu.dma_semaphore, #tpu.memory_space<semaphore_mem>>)
      %dma_wait3A = tpu.memref_slice %arg2[%mul3A_8] : memref<262144xf32, #tpu.memory_space<hbm>> -> memref<65536xf32, #tpu.memory_space<hbm>>
      %dma_wait3A_32 = tpu.memref_slice %arg2[%mul3A_8] : memref<262144xf32, #tpu.memory_space<hbm>> -> memref<65536xf32, #tpu.memory_space<hbm>>
      tpu.wait_dma2 semaphore(%run_scoped3A : memref<!tpu.dma_semaphore, #tpu.memory_space<semaphore_mem>>) src(%dma_wait3A_32 : memref<65536xf32, #tpu.memory_space<hbm>>) dst(%arg5 : memref<65536xf32, #tpu.memory_space<vmem>>)
      tpu.yield
    }) : () -> ()
    %add3A_9 = arith.constant 0 : i32
    %add3A_10 = arith.addi %mul3A_4, %add3A_9 : i32
    %dma_start3A = arith.constant 0 : i32
    %dma_start3A_11 = arith.constant 0 : i32
    %dma_start3A_12 = arith.constant 0 : i32
    %dma_start3A_13 = arith.constant 0 : i32
    %dma_start3A_14 = tpu.memref_slice %arg6[%dma_start3A, %dma_start3A_12, %dma_start3A_13] : memref<2x64x64xi32, #tpu.memory_space<vmem>> -> memref<1x64x64xi32, #tpu.memory_space<vmem>>
    %dma_start3A_15 = tpu.memref_squeeze %dma_start3A_14 : memref<1x64x64xi32, #tpu.memory_space<vmem>> -> memref<64x64xi32, #tpu.memory_space<vmem>>
    %dma_start3A_16 = arith.constant 0 : i32
    %dma_start3A_17 = tpu.memref_slice %arg3[%add3A_10, %dma_start3A_16] : memref<4096x64xi32, #tpu.memory_space<hbm>> -> memref<64x64xi32, #tpu.memory_space<hbm>>
    %dma_start3A_18 = tpu.memref_slice %arg9[%dma_start3A_11] : memref<2x!tpu.dma_semaphore, #tpu.memory_space<semaphore_mem>> -> memref<1x!tpu.dma_semaphore, #tpu.memory_space<semaphore_mem>>
    %dma_start3A_19 = tpu.memref_squeeze %dma_start3A_18 : memref<1x!tpu.dma_semaphore, #tpu.memory_space<semaphore_mem>> -> memref<!tpu.dma_semaphore, #tpu.memory_space<semaphore_mem>>
    %dma_start3A_20 = arith.constant 0 : i32
    %dma_start3A_21 = arith.constant 0 : i32
    %dma_start3A_22 = tpu.memref_slice %arg6[%dma_start3A, %dma_start3A_20, %dma_start3A_21] : memref<2x64x64xi32, #tpu.memory_space<vmem>> -> memref<1x64x64xi32, #tpu.memory_space<vmem>>
    %dma_start3A_23 = tpu.memref_squeeze %dma_start3A_22 : memref<1x64x64xi32, #tpu.memory_space<vmem>> -> memref<64x64xi32, #tpu.memory_space<vmem>>
    %dma_start3A_24 = arith.constant 0 : i32
    %dma_start3A_25 = tpu.memref_slice %arg3[%add3A_10, %dma_start3A_24] : memref<4096x64xi32, #tpu.memory_space<hbm>> -> memref<64x64xi32, #tpu.memory_space<hbm>>
    tpu.enqueue_dma source(%dma_start3A_25 : memref<64x64xi32, #tpu.memory_space<hbm>>) target(%dma_start3A_23 : memref<64x64xi32, #tpu.memory_space<vmem>>) target_semaphore(%dma_start3A_19 : memref<!tpu.dma_semaphore, #tpu.memory_space<semaphore_mem>>)
    %scan3A = arith.constant 0 : i32
    %scan3A_26 = arith.constant 8 : i32
    %scan3A_27 = arith.addi %scan3A, %scan3A_26 : i32
    %scan3A_28 = arith.constant 1 : i32
    scf.for %scan3A_30 = %scan3A to %scan3A_27 step %scan3A_28  : i32 {
      %mul3A_31 = arith.constant 1 : i32
      %mul3A_32 = arith.muli %scan3A_30, %mul3A_31 : i32
      %add3A_33 = arith.constant 0 : i32
      %add3A_34 = arith.addi %add3A_33, %mul3A_32 : i32
      %rem3A_35 = arith.constant 2 : i32
      %rem3A_36 = arith.remsi %add3A_34, %rem3A_35 : i32
      %lt3A = arith.constant 7 : i32
      %lt3A_37 = arith.cmpi slt, %add3A_34, %lt3A : i32
      %convert_element_type3A = arith.extui %lt3A_37 : i1 to i32
      %cond3A = arith.constant 0 : i32
      %cond3A_38 = arith.cmpi ne, %convert_element_type3A, %cond3A : i32
      scf.if %cond3A_38 {
        %add3A_63 = arith.constant 1 : i32
        %add3A_64 = arith.addi %add3A_34, %add3A_63 : i32
        %sub3A = arith.constant 1 : i32
        %sub3A_65 = arith.subi %sub3A, %rem3A_36 : i32
        %mul3A_66 = arith.constant 64 : i32
        %mul3A_67 = arith.muli %add3A_64, %mul3A_66 : i32
        %add3A_68 = arith.addi %mul3A_4, %mul3A_67 : i32
        %dma_start3A_69 = arith.constant 0 : i32
        %dma_start3A_70 = arith.constant 0 : i32
        %dma_start3A_71 = tpu.memref_slice %arg6[%sub3A_65, %dma_start3A_69, %dma_start3A_70] : memref<2x64x64xi32, #tpu.memory_space<vmem>> -> memref<1x64x64xi32, #tpu.memory_space<vmem>>
        %dma_start3A_72 = tpu.memref_squeeze %dma_start3A_71 : memref<1x64x64xi32, #tpu.memory_space<vmem>> -> memref<64x64xi32, #tpu.memory_space<vmem>>
        %dma_start3A_73 = arith.constant 0 : i32
        %dma_start3A_74 = tpu.memref_slice %arg3[%add3A_68, %dma_start3A_73] : memref<4096x64xi32, #tpu.memory_space<hbm>> -> memref<64x64xi32, #tpu.memory_space<hbm>>
        %dma_start3A_75 = tpu.memref_slice %arg9[%sub3A_65] : memref<2x!tpu.dma_semaphore, #tpu.memory_space<semaphore_mem>> -> memref<1x!tpu.dma_semaphore, #tpu.memory_space<semaphore_mem>>
        %dma_start3A_76 = tpu.memref_squeeze %dma_start3A_75 : memref<1x!tpu.dma_semaphore, #tpu.memory_space<semaphore_mem>> -> memref<!tpu.dma_semaphore, #tpu.memory_space<semaphore_mem>>
        %dma_start3A_77 = arith.constant 0 : i32
        %dma_start3A_78 = arith.constant 0 : i32
        %dma_start3A_79 = tpu.memref_slice %arg6[%sub3A_65, %dma_start3A_77, %dma_start3A_78] : memref<2x64x64xi32, #tpu.memory_space<vmem>> -> memref<1x64x64xi32, #tpu.memory_space<vmem>>
        %dma_start3A_80 = tpu.memref_squeeze %dma_start3A_79 : memref<1x64x64xi32, #tpu.memory_space<vmem>> -> memref<64x64xi32, #tpu.memory_space<vmem>>
        %dma_start3A_81 = arith.constant 0 : i32
        %dma_start3A_82 = tpu.memref_slice %arg3[%add3A_68, %dma_start3A_81] : memref<4096x64xi32, #tpu.memory_space<hbm>> -> memref<64x64xi32, #tpu.memory_space<hbm>>
        tpu.enqueue_dma source(%dma_start3A_82 : memref<64x64xi32, #tpu.memory_space<hbm>>) target(%dma_start3A_80 : memref<64x64xi32, #tpu.memory_space<vmem>>) target_semaphore(%dma_start3A_76 : memref<!tpu.dma_semaphore, #tpu.memory_space<semaphore_mem>>)
      } else {
      }
      %mul3A_39 = arith.constant 64 : i32
      %mul3A_40 = arith.muli %add3A_34, %mul3A_39 : i32
      %add3A_41 = arith.addi %mul3A_4, %mul3A_40 : i32
      %dma_wait3A = arith.constant 0 : i32
      %dma_wait3A_42 = arith.constant 0 : i32
      %dma_wait3A_43 = tpu.memref_slice %arg6[%rem3A_36, %dma_wait3A, %dma_wait3A_42] : memref<2x64x64xi32, #tpu.memory_space<vmem>> -> memref<1x64x64xi32, #tpu.memory_space<vmem>>
      %dma_wait3A_44 = tpu.memref_squeeze %dma_wait3A_43 : memref<1x64x64xi32, #tpu.memory_space<vmem>> -> memref<64x64xi32, #tpu.memory_space<vmem>>
      %dma_wait3A_45 = arith.constant 0 : i32
      %dma_wait3A_46 = tpu.memref_slice %arg3[%add3A_41, %dma_wait3A_45] : memref<4096x64xi32, #tpu.memory_space<hbm>> -> memref<64x64xi32, #tpu.memory_space<hbm>>
      %dma_wait3A_47 = tpu.memref_slice %arg9[%rem3A_36] : memref<2x!tpu.dma_semaphore, #tpu.memory_space<semaphore_mem>> -> memref<1x!tpu.dma_semaphore, #tpu.memory_space<semaphore_mem>>
      %dma_wait3A_48 = tpu.memref_squeeze %dma_wait3A_47 : memref<1x!tpu.dma_semaphore, #tpu.memory_space<semaphore_mem>> -> memref<!tpu.dma_semaphore, #tpu.memory_space<semaphore_mem>>
      %dma_wait3A_49 = arith.constant 0 : i32
      %dma_wait3A_50 = arith.constant 0 : i32
      %dma_wait3A_51 = tpu.memref_slice %arg6[%rem3A_36, %dma_wait3A_49, %dma_wait3A_50] : memref<2x64x64xi32, #tpu.memory_space<vmem>> -> memref<1x64x64xi32, #tpu.memory_space<vmem>>
      %dma_wait3A_52 = tpu.memref_squeeze %dma_wait3A_51 : memref<1x64x64xi32, #tpu.memory_space<vmem>> -> memref<64x64xi32, #tpu.memory_space<vmem>>
      %dma_wait3A_53 = arith.constant 0 : i32
      %dma_wait3A_54 = tpu.memref_slice %arg3[%add3A_41, %dma_wait3A_53] : memref<4096x64xi32, #tpu.memory_space<hbm>> -> memref<64x64xi32, #tpu.memory_space<hbm>>
      tpu.wait_dma2 semaphore(%dma_wait3A_48 : memref<!tpu.dma_semaphore, #tpu.memory_space<semaphore_mem>>) src(%dma_wait3A_54 : memref<64x64xi32, #tpu.memory_space<hbm>>) dst(%dma_wait3A_52 : memref<64x64xi32, #tpu.memory_space<vmem>>)
      %scan3A_55 = arith.constant 0 : i32
      %scan3A_56 = arith.constant 64 : i32
      %scan3A_57 = arith.addi %scan3A_55, %scan3A_56 : i32
      %scan3A_58 = arith.constant 1 : i32
      scf.for %scan3A_63 = %scan3A_55 to %scan3A_57 step %scan3A_58  : i32 {
        %mul3A_64 = arith.constant 1 : i32
        %mul3A_65 = arith.muli %scan3A_63, %mul3A_64 : i32
        %add3A_66 = arith.constant 0 : i32
        %add3A_67 = arith.addi %add3A_66, %mul3A_65 : i32
        %get3A = arith.index_cast %rem3A_36 : i32 to index
        %get3A_68 = arith.index_cast %add3A_67 : i32 to index
        %get3A_69 = arith.constant 0 : index
        %get3A_70 = tpu.vector_load %arg6[%get3A, %get3A_68, %get3A_69] {strides = array<i32>} : memref<2x64x64xi32, #tpu.memory_space<vmem>>, vector<16xi32>,
        %get3A_71 = arith.index_cast %rem3A_36 : i32 to index
        %get3A_72 = arith.index_cast %add3A_67 : i32 to index
        %get3A_73 = arith.constant 16 : index
        %get3A_74 = tpu.vector_load %arg6[%get3A_71, %get3A_72, %get3A_73] {strides = array<i32>} : memref<2x64x64xi32, #tpu.memory_space<vmem>>, vector<16xi32>,
        %get3A_75 = arith.index_cast %rem3A_36 : i32 to index
        %get3A_76 = arith.index_cast %add3A_67 : i32 to index
        %get3A_77 = arith.constant 32 : index
        %get3A_78 = tpu.vector_load %arg6[%get3A_75, %get3A_76, %get3A_77] {strides = array<i32>} : memref<2x64x64xi32, #tpu.memory_space<vmem>>, vector<16xi32>,
        %get3A_79 = arith.index_cast %rem3A_36 : i32 to index
        %get3A_80 = arith.index_cast %add3A_67 : i32 to index
        %get3A_81 = arith.constant 48 : index
        %get3A_82 = tpu.vector_load %arg6[%get3A_79, %get3A_80, %get3A_81] {strides = array<i32>} : memref<2x64x64xi32, #tpu.memory_space<vmem>>, vector<16xi32>,
        %slice3A = vector.extract_strided_slice %get3A_70 {offsets = [0], sizes = [1], strides = [1]} : vector<16xi32> to vector<1xi32>
        %squeeze3A = vector.extract %slice3A[0] : i32 from vector<1xi32>
        %slice3A_83 = vector.extract_strided_slice %get3A_70 {offsets = [1], sizes = [1], strides = [1]} : vector<16xi32> to vector<1xi32>
        %squeeze3A_84 = vector.extract %slice3A_83[0] : i32 from vector<1xi32>
        %and3A = arith.constant 65535 : i32
        %and3A_85 = arith.andi %squeeze3A, %and3A : i32
        %get3A_86 = arith.index_cast %and3A_85 : i32 to index
        %get3A_87 = tpu.vector_load %arg5[%get3A_86] {strides = array<i32>} : memref<65536xf32, #tpu.memory_space<vmem>>, vector<16xf32>,
        %shift_right_logical3A = arith.constant 16 : i32
        %shift_right_logical3A_88 = arith.shrui %squeeze3A, %shift_right_logical3A : i32
        %get3A_89 = arith.index_cast %shift_right_logical3A_88 : i32 to index
        %get3A_90 = tpu.vector_load %arg5[%get3A_89] {strides = array<i32>} : memref<65536xf32, #tpu.memory_space<vmem>>, vector<16xf32>,
        %and3A_91 = arith.constant 65535 : i32
        %and3A_92 = arith.andi %squeeze3A_84, %and3A_91 : i32
        %get3A_93 = arith.index_cast %and3A_92 : i32 to index
        %get3A_94 = tpu.vector_load %arg5[%get3A_93] {strides = array<i32>} : memref<65536xf32, #tpu.memory_space<vmem>>, vector<16xf32>,
        %shift_right_logical3A_95 = arith.constant 16 : i32
        %shift_right_logical3A_96 = arith.shrui %squeeze3A_84, %shift_right_logical3A_95 : i32
        %get3A_97 = arith.index_cast %shift_right_logical3A_96 : i32 to index
        %get3A_98 = tpu.vector_load %arg5[%get3A_97] {strides = array<i32>} : memref<65536xf32, #tpu.memory_space<vmem>>, vector<16xf32>,
        %mul3A_99 = arith.mulf %get3A_87, %get3A_90 : vector<16xf32>
        %mul3A_100 = arith.mulf %get3A_94, %get3A_98 : vector<16xf32>
        %mul3A_101 = arith.mulf %mul3A_99, %mul3A_100 : vector<16xf32>
        %swap3A = arith.constant 0 : i32
        %swap3A_102 = arith.index_cast %swap3A : i32 to index
        %swap3A_103 = arith.constant 0 : index
        %swap3A_104 = tpu.vector_load %arg7[%swap3A_102, %swap3A_103] {strides = array<i32>} : memref<32x16xf32, #tpu.memory_space<vmem>>, vector<16xf32>,
        tpu.vector_store %arg7[%swap3A_102, %swap3A_103], %mul3A_101 {strides = array<i32>} : memref<32x16xf32, #tpu.memory_space<vmem>>, vector<16xf32>,
        %slice3A_105 = vector.extract_strided_slice %get3A_70 {offsets = [2], sizes = [1], strides = [1]} : vector<16xi32> to vector<1xi32>
        %squeeze3A_106 = vector.extract %slice3A_105[0] : i32 from vector<1xi32>
        %slice3A_107 = vector.extract_strided_slice %get3A_70 {offsets = [3], sizes = [1], strides = [1]} : vector<16xi32> to vector<1xi32>
        %squeeze3A_108 = vector.extract %slice3A_107[0] : i32 from vector<1xi32>
        %and3A_109 = arith.constant 65535 : i32
        %and3A_110 = arith.andi %squeeze3A_106, %and3A_109 : i32
        %get3A_111 = arith.index_cast %and3A_110 : i32 to index
        %get3A_112 = tpu.vector_load %arg5[%get3A_111] {strides = array<i32>} : memref<65536xf32, #tpu.memory_space<vmem>>, vector<16xf32>,
        %shift_right_logical3A_113 = arith.constant 16 : i32
        %shift_right_logical3A_114 = arith.shrui %squeeze3A_106, %shift_right_logical3A_113 : i32
        %get3A_115 = arith.index_cast %shift_right_logical3A_114 : i32 to index
        %get3A_116 = tpu.vector_load %arg5[%get3A_115] {strides = array<i32>} : memref<65536xf32, #tpu.memory_space<vmem>>, vector<16xf32>,
        %and3A_117 = arith.constant 65535 : i32
        %and3A_118 = arith.andi %squeeze3A_108, %and3A_117 : i32
        %get3A_119 = arith.index_cast %and3A_118 : i32 to index
        %get3A_120 = tpu.vector_load %arg5[%get3A_119] {strides = array<i32>} : memref<65536xf32, #tpu.memory_space<vmem>>, vector<16xf32>,
        %shift_right_logical3A_121 = arith.constant 16 : i32
        %shift_right_logical3A_122 = arith.shrui %squeeze3A_108, %shift_right_logical3A_121 : i32
        %get3A_123 = arith.index_cast %shift_right_logical3A_122 : i32 to index
        %get3A_124 = tpu.vector_load %arg5[%get3A_123] {strides = array<i32>} : memref<65536xf32, #tpu.memory_space<vmem>>, vector<16xf32>,
        %mul3A_125 = arith.mulf %get3A_112, %get3A_116 : vector<16xf32>
        %mul3A_126 = arith.mulf %get3A_120, %get3A_124 : vector<16xf32>
        %mul3A_127 = arith.mulf %mul3A_125, %mul3A_126 : vector<16xf32>
        %swap3A_128 = arith.constant 1 : i32
        %swap3A_129 = arith.index_cast %swap3A_128 : i32 to index
        %swap3A_130 = arith.constant 0 : index
        %swap3A_131 = tpu.vector_load %arg7[%swap3A_129, %swap3A_130] {strides = array<i32>} : memref<32x16xf32, #tpu.memory_space<vmem>>, vector<16xf32>,
        tpu.vector_store %arg7[%swap3A_129, %swap3A_130], %mul3A_127 {strides = array<i32>} : memref<32x16xf32, #tpu.memory_space<vmem>>, vector<16xf32>,
        %max3A = arith.maximumf %mul3A_101, %mul3A_127 : vector<16xf32>
        %slice3A_132 = vector.extract_strided_slice %get3A_70 {offsets = [4], sizes = [1], strides = [1]} : vector<16xi32> to vector<1xi32>
        %squeeze3A_133 = vector.extract %slice3A_132[0] : i32 from vector<1xi32>
        %slice3A_134 = vector.extract_strided_slice %get3A_70 {offsets = [5], sizes = [1], strides = [1]} : vector<16xi32> to vector<1xi32>
        %squeeze3A_135 = vector.extract %slice3A_134[0] : i32 from vector<1xi32>
        %and3A_136 = arith.constant 65535 : i32
        %and3A_137 = arith.andi %squeeze3A_133, %and3A_136 : i32
        %get3A_138 = arith.index_cast %and3A_137 : i32 to index
        %get3A_139 = tpu.vector_load %arg5[%get3A_138] {strides = array<i32>} : memref<65536xf32, #tpu.memory_space<vmem>>, vector<16xf32>,
        %shift_right_logical3A_140 = arith.constant 16 : i32
        %shift_right_logical3A_141 = arith.shrui %squeeze3A_133, %shift_right_logical3A_140 : i32
        %get3A_142 = arith.index_cast %shift_right_logical3A_141 : i32 to index
        %get3A_143 = tpu.vector_load %arg5[%get3A_142] {strides = array<i32>} : memref<65536xf32, #tpu.memory_space<vmem>>, vector<16xf32>,
        %and3A_144 = arith.constant 65535 : i32
        %and3A_145 = arith.andi %squeeze3A_135, %and3A_144 : i32
        %get3A_146 = arith.index_cast %and3A_145 : i32 to index
        %get3A_147 = tpu.vector_load %arg5[%get3A_146] {strides = array<i32>} : memref<65536xf32, #tpu.memory_space<vmem>>, vector<16xf32>,
        %shift_right_logical3A_148 = arith.constant 16 : i32
        %shift_right_logical3A_149 = arith.shrui %squeeze3A_135, %shift_right_logical3A_148 : i32
        %get3A_150 = arith.index_cast %shift_right_logical3A_149 : i32 to index
        %get3A_151 = tpu.vector_load %arg5[%get3A_150] {strides = array<i32>} : memref<65536xf32, #tpu.memory_space<vmem>>, vector<16xf32>,
        %mul3A_152 = arith.mulf %get3A_139, %get3A_143 : vector<16xf32>
        %mul3A_153 = arith.mulf %get3A_147, %get3A_151 : vector<16xf32>
        %mul3A_154 = arith.mulf %mul3A_152, %mul3A_153 : vector<16xf32>
        %swap3A_155 = arith.constant 2 : i32
        %swap3A_156 = arith.index_cast %swap3A_155 : i32 to index
        %swap3A_157 = arith.constant 0 : index
        %swap3A_158 = tpu.vector_load %arg7[%swap3A_156, %swap3A_157] {strides = array<i32>} : memref<32x16xf32, #tpu.memory_space<vmem>>, vector<16xf32>,
        tpu.vector_store %arg7[%swap3A_156, %swap3A_157], %mul3A_154 {strides = array<i32>} : memref<32x16xf32, #tpu.memory_space<vmem>>, vector<16xf32>,
        %max3A_159 = arith.maximumf %max3A, %mul3A_154 : vector<16xf32>
        %slice3A_160 = vector.extract_strided_slice %get3A_70 {offsets = [6], sizes = [1], strides = [1]} : vector<16xi32> to vector<1xi32>
        %squeeze3A_161 = vector.extract %slice3A_160[0] : i32 from vector<1xi32>
        %slice3A_162 = vector.extract_strided_slice %get3A_70 {offsets = [7], sizes = [1], strides = [1]} : vector<16xi32> to vector<1xi32>
        %squeeze3A_163 = vector.extract %slice3A_162[0] : i32 from vector<1xi32>
        %and3A_164 = arith.constant 65535 : i32
        %and3A_165 = arith.andi %squeeze3A_161, %and3A_164 : i32
        %get3A_166 = arith.index_cast %and3A_165 : i32 to index
        %get3A_167 = tpu.vector_load %arg5[%get3A_166] {strides = array<i32>} : memref<65536xf32, #tpu.memory_space<vmem>>, vector<16xf32>,
        %shift_right_logical3A_168 = arith.constant 16 : i32
        %shift_right_logical3A_169 = arith.shrui %squeeze3A_161, %shift_right_logical3A_168 : i32
        %get3A_170 = arith.index_cast %shift_right_logical3A_169 : i32 to index
        %get3A_171 = tpu.vector_load %arg5[%get3A_170] {strides = array<i32>} : memref<65536xf32, #tpu.memory_space<vmem>>, vector<16xf32>,
        %and3A_172 = arith.constant 65535 : i32
        %and3A_173 = arith.andi %squeeze3A_163, %and3A_172 : i32
        %get3A_174 = arith.index_cast %and3A_173 : i32 to index
        %get3A_175 = tpu.vector_load %arg5[%get3A_174] {strides = array<i32>} : memref<65536xf32, #tpu.memory_space<vmem>>, vector<16xf32>,
        %shift_right_logical3A_176 = arith.constant 16 : i32
        %shift_right_logical3A_177 = arith.shrui %squeeze3A_163, %shift_right_logical3A_176 : i32
        %get3A_178 = arith.index_cast %shift_right_logical3A_177 : i32 to index
        %get3A_179 = tpu.vector_load %arg5[%get3A_178] {strides = array<i32>} : memref<65536xf32, #tpu.memory_space<vmem>>, vector<16xf32>,
        %mul3A_180 = arith.mulf %get3A_167, %get3A_171 : vector<16xf32>
        %mul3A_181 = arith.mulf %get3A_175, %get3A_179 : vector<16xf32>
        %mul3A_182 = arith.mulf %mul3A_180, %mul3A_181 : vector<16xf32>
        %swap3A_183 = arith.constant 3 : i32
        %swap3A_184 = arith.index_cast %swap3A_183 : i32 to index
        %swap3A_185 = arith.constant 0 : index
        %swap3A_186 = tpu.vector_load %arg7[%swap3A_184, %swap3A_185] {strides = array<i32>} : memref<32x16xf32, #tpu.memory_space<vmem>>, vector<16xf32>,
        tpu.vector_store %arg7[%swap3A_184, %swap3A_185], %mul3A_182 {strides = array<i32>} : memref<32x16xf32, #tpu.memory_space<vmem>>, vector<16xf32>,
        %max3A_187 = arith.maximumf %max3A_159, %mul3A_182 : vector<16xf32>
        %slice3A_188 = vector.extract_strided_slice %get3A_70 {offsets = [8], sizes = [1], strides = [1]} : vector<16xi32> to vector<1xi32>
        %squeeze3A_189 = vector.extract %slice3A_188[0] : i32 from vector<1xi32>
        %slice3A_190 = vector.extract_strided_slice %get3A_70 {offsets = [9], sizes = [1], strides = [1]} : vector<16xi32> to vector<1xi32>
        %squeeze3A_191 = vector.extract %slice3A_190[0] : i32 from vector<1xi32>
        %and3A_192 = arith.constant 65535 : i32
        %and3A_193 = arith.andi %squeeze3A_189, %and3A_192 : i32
        %get3A_194 = arith.index_cast %and3A_193 : i32 to index
        %get3A_195 = tpu.vector_load %arg5[%get3A_194] {strides = array<i32>} : memref<65536xf32, #tpu.memory_space<vmem>>, vector<16xf32>,
        %shift_right_logical3A_196 = arith.constant 16 : i32
        %shift_right_logical3A_197 = arith.shrui %squeeze3A_189, %shift_right_logical3A_196 : i32
        %get3A_198 = arith.index_cast %shift_right_logical3A_197 : i32 to index
        %get3A_199 = tpu.vector_load %arg5[%get3A_198] {strides = array<i32>} : memref<65536xf32, #tpu.memory_space<vmem>>, vector<16xf32>,
        %and3A_200 = arith.constant 65535 : i32
        %and3A_201 = arith.andi %squeeze3A_191, %and3A_200 : i32
        %get3A_202 = arith.index_cast %and3A_201 : i32 to index
        %get3A_203 = tpu.vector_load %arg5[%get3A_202] {strides = array<i32>} : memref<65536xf32, #tpu.memory_space<vmem>>, vector<16xf32>,
        %shift_right_logical3A_204 = arith.constant 16 : i32
        %shift_right_logical3A_205 = arith.shrui %squeeze3A_191, %shift_right_logical3A_204 : i32
        %get3A_206 = arith.index_cast %shift_right_logical3A_205 : i32 to index
        %get3A_207 = tpu.vector_load %arg5[%get3A_206] {strides = array<i32>} : memref<65536xf32, #tpu.memory_space<vmem>>, vector<16xf32>,
        %mul3A_208 = arith.mulf %get3A_195, %get3A_199 : vector<16xf32>
        %mul3A_209 = arith.mulf %get3A_203, %get3A_207 : vector<16xf32>
        %mul3A_210 = arith.mulf %mul3A_208, %mul3A_209 : vector<16xf32>
        %swap3A_211 = arith.constant 4 : i32
        %swap3A_212 = arith.index_cast %swap3A_211 : i32 to index
        %swap3A_213 = arith.constant 0 : index
        %swap3A_214 = tpu.vector_load %arg7[%swap3A_212, %swap3A_213] {strides = array<i32>} : memref<32x16xf32, #tpu.memory_space<vmem>>, vector<16xf32>,
        tpu.vector_store %arg7[%swap3A_212, %swap3A_213], %mul3A_210 {strides = array<i32>} : memref<32x16xf32, #tpu.memory_space<vmem>>, vector<16xf32>,
        %max3A_215 = arith.maximumf %max3A_187, %mul3A_210 : vector<16xf32>
        %slice3A_216 = vector.extract_strided_slice %get3A_70 {offsets = [10], sizes = [1], strides = [1]} : vector<16xi32> to vector<1xi32>
        %squeeze3A_217 = vector.extract %slice3A_216[0] : i32 from vector<1xi32>
        %slice3A_218 = vector.extract_strided_slice %get3A_70 {offsets = [11], sizes = [1], strides = [1]} : vector<16xi32> to vector<1xi32>
        %squeeze3A_219 = vector.extract %slice3A_218[0] : i32 from vector<1xi32>
        %and3A_220 = arith.constant 65535 : i32
        %and3A_221 = arith.andi %squeeze3A_217, %and3A_220 : i32
        %get3A_222 = arith.index_cast %and3A_221 : i32 to index
        %get3A_223 = tpu.vector_load %arg5[%get3A_222] {strides = array<i32>} : memref<65536xf32, #tpu.memory_space<vmem>>, vector<16xf32>,
        %shift_right_logical3A_224 = arith.constant 16 : i32
        %shift_right_logical3A_225 = arith.shrui %squeeze3A_217, %shift_right_logical3A_224 : i32
        %get3A_226 = arith.index_cast %shift_right_logical3A_225 : i32 to index
        %get3A_227 = tpu.vector_load %arg5[%get3A_226] {strides = array<i32>} : memref<65536xf32, #tpu.memory_space<vmem>>, vector<16xf32>,
        %and3A_228 = arith.constant 65535 : i32
        %and3A_229 = arith.andi %squeeze3A_219, %and3A_228 : i32
        %get3A_230 = arith.index_cast %and3A_229 : i32 to index
        %get3A_231 = tpu.vector_load %arg5[%get3A_230] {strides = array<i32>} : memref<65536xf32, #tpu.memory_space<vmem>>, vector<16xf32>,
        %shift_right_logical3A_232 = arith.constant 16 : i32
        %shift_right_logical3A_233 = arith.shrui %squeeze3A_219, %shift_right_logical3A_232 : i32
        %get3A_234 = arith.index_cast %shift_right_logical3A_233 : i32 to index
        %get3A_235 = tpu.vector_load %arg5[%get3A_234] {strides = array<i32>} : memref<65536xf32, #tpu.memory_space<vmem>>, vector<16xf32>,
        %mul3A_236 = arith.mulf %get3A_223, %get3A_227 : vector<16xf32>
        %mul3A_237 = arith.mulf %get3A_231, %get3A_235 : vector<16xf32>
        %mul3A_238 = arith.mulf %mul3A_236, %mul3A_237 : vector<16xf32>
        %swap3A_239 = arith.constant 5 : i32
        %swap3A_240 = arith.index_cast %swap3A_239 : i32 to index
        %swap3A_241 = arith.constant 0 : index
        %swap3A_242 = tpu.vector_load %arg7[%swap3A_240, %swap3A_241] {strides = array<i32>} : memref<32x16xf32, #tpu.memory_space<vmem>>, vector<16xf32>,
        tpu.vector_store %arg7[%swap3A_240, %swap3A_241], %mul3A_238 {strides = array<i32>} : memref<32x16xf32, #tpu.memory_space<vmem>>, vector<16xf32>,
        %max3A_243 = arith.maximumf %max3A_215, %mul3A_238 : vector<16xf32>
        %slice3A_244 = vector.extract_strided_slice %get3A_70 {offsets = [12], sizes = [1], strides = [1]} : vector<16xi32> to vector<1xi32>
        %squeeze3A_245 = vector.extract %slice3A_244[0] : i32 from vector<1xi32>
        %slice3A_246 = vector.extract_strided_slice %get3A_70 {offsets = [13], sizes = [1], strides = [1]} : vector<16xi32> to vector<1xi32>
        %squeeze3A_247 = vector.extract %slice3A_246[0] : i32 from vector<1xi32>
        %and3A_248 = arith.constant 65535 : i32
        %and3A_249 = arith.andi %squeeze3A_245, %and3A_248 : i32
        %get3A_250 = arith.index_cast %and3A_249 : i32 to index
        %get3A_251 = tpu.vector_load %arg5[%get3A_250] {strides = array<i32>} : memref<65536xf32, #tpu.memory_space<vmem>>, vector<16xf32>,
        %shift_right_logical3A_252 = arith.constant 16 : i32
        %shift_right_logical3A_253 = arith.shrui %squeeze3A_245, %shift_right_logical3A_252 : i32
        %get3A_254 = arith.index_cast %shift_right_logical3A_253 : i32 to index
        %get3A_255 = tpu.vector_load %arg5[%get3A_254] {strides = array<i32>} : memref<65536xf32, #tpu.memory_space<vmem>>, vector<16xf32>,
        %and3A_256 = arith.constant 65535 : i32
        %and3A_257 = arith.andi %squeeze3A_247, %and3A_256 : i32
        %get3A_258 = arith.index_cast %and3A_257 : i32 to index
        %get3A_259 = tpu.vector_load %arg5[%get3A_258] {strides = array<i32>} : memref<65536xf32, #tpu.memory_space<vmem>>, vector<16xf32>,
        %shift_right_logical3A_260 = arith.constant 16 : i32
        %shift_right_logical3A_261 = arith.shrui %squeeze3A_247, %shift_right_logical3A_260 : i32
        %get3A_262 = arith.index_cast %shift_right_logical3A_261 : i32 to index
        %get3A_263 = tpu.vector_load %arg5[%get3A_262] {strides = array<i32>} : memref<65536xf32, #tpu.memory_space<vmem>>, vector<16xf32>,
        %mul3A_264 = arith.mulf %get3A_251, %get3A_255 : vector<16xf32>
        %mul3A_265 = arith.mulf %get3A_259, %get3A_263 : vector<16xf32>
        %mul3A_266 = arith.mulf %mul3A_264, %mul3A_265 : vector<16xf32>
        %swap3A_267 = arith.constant 6 : i32
        %swap3A_268 = arith.index_cast %swap3A_267 : i32 to index
        %swap3A_269 = arith.constant 0 : index
        %swap3A_270 = tpu.vector_load %arg7[%swap3A_268, %swap3A_269] {strides = array<i32>} : memref<32x16xf32, #tpu.memory_space<vmem>>, vector<16xf32>,
        tpu.vector_store %arg7[%swap3A_268, %swap3A_269], %mul3A_266 {strides = array<i32>} : memref<32x16xf32, #tpu.memory_space<vmem>>, vector<16xf32>,
        %max3A_271 = arith.maximumf %max3A_243, %mul3A_266 : vector<16xf32>
        %slice3A_272 = vector.extract_strided_slice %get3A_70 {offsets = [14], sizes = [1], strides = [1]} : vector<16xi32> to vector<1xi32>
        %squeeze3A_273 = vector.extract %slice3A_272[0] : i32 from vector<1xi32>
        %slice3A_274 = vector.extract_strided_slice %get3A_70 {offsets = [15], sizes = [1], strides = [1]} : vector<16xi32> to vector<1xi32>
        %squeeze3A_275 = vector.extract %slice3A_274[0] : i32 from vector<1xi32>
        %and3A_276 = arith.constant 65535 : i32
        %and3A_277 = arith.andi %squeeze3A_273, %and3A_276 : i32
        %get3A_278 = arith.index_cast %and3A_277 : i32 to index
        %get3A_279 = tpu.vector_load %arg5[%get3A_278] {strides = array<i32>} : memref<65536xf32, #tpu.memory_space<vmem>>, vector<16xf32>,
        %shift_right_logical3A_280 = arith.constant 16 : i32
        %shift_right_logical3A_281 = arith.shrui %squeeze3A_273, %shift_right_logical3A_280 : i32
        %get3A_282 = arith.index_cast %shift_right_logical3A_281 : i32 to index
        %get3A_283 = tpu.vector_load %arg5[%get3A_282] {strides = array<i32>} : memref<65536xf32, #tpu.memory_space<vmem>>, vector<16xf32>,
        %and3A_284 = arith.constant 65535 : i32
        %and3A_285 = arith.andi %squeeze3A_275, %and3A_284 : i32
        %get3A_286 = arith.index_cast %and3A_285 : i32 to index
        %get3A_287 = tpu.vector_load %arg5[%get3A_286] {strides = array<i32>} : memref<65536xf32, #tpu.memory_space<vmem>>, vector<16xf32>,
        %shift_right_logical3A_288 = arith.constant 16 : i32
        %shift_right_logical3A_289 = arith.shrui %squeeze3A_275, %shift_right_logical3A_288 : i32
        %get3A_290 = arith.index_cast %shift_right_logical3A_289 : i32 to index
        %get3A_291 = tpu.vector_load %arg5[%get3A_290] {strides = array<i32>} : memref<65536xf32, #tpu.memory_space<vmem>>, vector<16xf32>,
        %mul3A_292 = arith.mulf %get3A_279, %get3A_283 : vector<16xf32>
        %mul3A_293 = arith.mulf %get3A_287, %get3A_291 : vector<16xf32>
        %mul3A_294 = arith.mulf %mul3A_292, %mul3A_293 : vector<16xf32>
        %swap3A_295 = arith.constant 7 : i32
        %swap3A_296 = arith.index_cast %swap3A_295 : i32 to index
        %swap3A_297 = arith.constant 0 : index
        %swap3A_298 = tpu.vector_load %arg7[%swap3A_296, %swap3A_297] {strides = array<i32>} : memref<32x16xf32, #tpu.memory_space<vmem>>, vector<16xf32>,
        tpu.vector_store %arg7[%swap3A_296, %swap3A_297], %mul3A_294 {strides = array<i32>} : memref<32x16xf32, #tpu.memory_space<vmem>>, vector<16xf32>,
        %max3A_299 = arith.maximumf %max3A_271, %mul3A_294 : vector<16xf32>
        %slice3A_300 = vector.extract_strided_slice %get3A_74 {offsets = [0], sizes = [1], strides = [1]} : vector<16xi32> to vector<1xi32>
        %squeeze3A_301 = vector.extract %slice3A_300[0] : i32 from vector<1xi32>
        %slice3A_302 = vector.extract_strided_slice %get3A_74 {offsets = [1], sizes = [1], strides = [1]} : vector<16xi32> to vector<1xi32>
        %squeeze3A_303 = vector.extract %slice3A_302[0] : i32 from vector<1xi32>
        %and3A_304 = arith.constant 65535 : i32
        %and3A_305 = arith.andi %squeeze3A_301, %and3A_304 : i32
        %get3A_306 = arith.index_cast %and3A_305 : i32 to index
        %get3A_307 = tpu.vector_load %arg5[%get3A_306] {strides = array<i32>} : memref<65536xf32, #tpu.memory_space<vmem>>, vector<16xf32>,
        %shift_right_logical3A_308 = arith.constant 16 : i32
        %shift_right_logical3A_309 = arith.shrui %squeeze3A_301, %shift_right_logical3A_308 : i32
        %get3A_310 = arith.index_cast %shift_right_logical3A_309 : i32 to index
        %get3A_311 = tpu.vector_load %arg5[%get3A_310] {strides = array<i32>} : memref<65536xf32, #tpu.memory_space<vmem>>, vector<16xf32>,
        %and3A_312 = arith.constant 65535 : i32
        %and3A_313 = arith.andi %squeeze3A_303, %and3A_312 : i32
        %get3A_314 = arith.index_cast %and3A_313 : i32 to index
        %get3A_315 = tpu.vector_load %arg5[%get3A_314] {strides = array<i32>} : memref<65536xf32, #tpu.memory_space<vmem>>, vector<16xf32>,
        %shift_right_logical3A_316 = arith.constant 16 : i32
        %shift_right_logical3A_317 = arith.shrui %squeeze3A_303, %shift_right_logical3A_316 : i32
        %get3A_318 = arith.index_cast %shift_right_logical3A_317 : i32 to index
        %get3A_319 = tpu.vector_load %arg5[%get3A_318] {strides = array<i32>} : memref<65536xf32, #tpu.memory_space<vmem>>, vector<16xf32>,
        %mul3A_320 = arith.mulf %get3A_307, %get3A_311 : vector<16xf32>
        %mul3A_321 = arith.mulf %get3A_315, %get3A_319 : vector<16xf32>
        %mul3A_322 = arith.mulf %mul3A_320, %mul3A_321 : vector<16xf32>
        %swap3A_323 = arith.constant 8 : i32
        %swap3A_324 = arith.index_cast %swap3A_323 : i32 to index
        %swap3A_325 = arith.constant 0 : index
        %swap3A_326 = tpu.vector_load %arg7[%swap3A_324, %swap3A_325] {strides = array<i32>} : memref<32x16xf32, #tpu.memory_space<vmem>>, vector<16xf32>,
        tpu.vector_store %arg7[%swap3A_324, %swap3A_325], %mul3A_322 {strides = array<i32>} : memref<32x16xf32, #tpu.memory_space<vmem>>, vector<16xf32>,
        %max3A_327 = arith.maximumf %max3A_299, %mul3A_322 : vector<16xf32>
        %slice3A_328 = vector.extract_strided_slice %get3A_74 {offsets = [2], sizes = [1], strides = [1]} : vector<16xi32> to vector<1xi32>
        %squeeze3A_329 = vector.extract %slice3A_328[0] : i32 from vector<1xi32>
        %slice3A_330 = vector.extract_strided_slice %get3A_74 {offsets = [3], sizes = [1], strides = [1]} : vector<16xi32> to vector<1xi32>
        %squeeze3A_331 = vector.extract %slice3A_330[0] : i32 from vector<1xi32>
        %and3A_332 = arith.constant 65535 : i32
        %and3A_333 = arith.andi %squeeze3A_329, %and3A_332 : i32
        %get3A_334 = arith.index_cast %and3A_333 : i32 to index
        %get3A_335 = tpu.vector_load %arg5[%get3A_334] {strides = array<i32>} : memref<65536xf32, #tpu.memory_space<vmem>>, vector<16xf32>,
        %shift_right_logical3A_336 = arith.constant 16 : i32
        %shift_right_logical3A_337 = arith.shrui %squeeze3A_329, %shift_right_logical3A_336 : i32
        %get3A_338 = arith.index_cast %shift_right_logical3A_337 : i32 to index
        %get3A_339 = tpu.vector_load %arg5[%get3A_338] {strides = array<i32>} : memref<65536xf32, #tpu.memory_space<vmem>>, vector<16xf32>,
        %and3A_340 = arith.constant 65535 : i32
        %and3A_341 = arith.andi %squeeze3A_331, %and3A_340 : i32
        %get3A_342 = arith.index_cast %and3A_341 : i32 to index
        %get3A_343 = tpu.vector_load %arg5[%get3A_342] {strides = array<i32>} : memref<65536xf32, #tpu.memory_space<vmem>>, vector<16xf32>,
        %shift_right_logical3A_344 = arith.constant 16 : i32
        %shift_right_logical3A_345 = arith.shrui %squeeze3A_331, %shift_right_logical3A_344 : i32
        %get3A_346 = arith.index_cast %shift_right_logical3A_345 : i32 to index
        %get3A_347 = tpu.vector_load %arg5[%get3A_346] {strides = array<i32>} : memref<65536xf32, #tpu.memory_space<vmem>>, vector<16xf32>,
        %mul3A_348 = arith.mulf %get3A_335, %get3A_339 : vector<16xf32>
        %mul3A_349 = arith.mulf %get3A_343, %get3A_347 : vector<16xf32>
        %mul3A_350 = arith.mulf %mul3A_348, %mul3A_349 : vector<16xf32>
        %swap3A_351 = arith.constant 9 : i32
        %swap3A_352 = arith.index_cast %swap3A_351 : i32 to index
        %swap3A_353 = arith.constant 0 : index
        %swap3A_354 = tpu.vector_load %arg7[%swap3A_352, %swap3A_353] {strides = array<i32>} : memref<32x16xf32, #tpu.memory_space<vmem>>, vector<16xf32>,
        tpu.vector_store %arg7[%swap3A_352, %swap3A_353], %mul3A_350 {strides = array<i32>} : memref<32x16xf32, #tpu.memory_space<vmem>>, vector<16xf32>,
        %max3A_355 = arith.maximumf %max3A_327, %mul3A_350 : vector<16xf32>
        %slice3A_356 = vector.extract_strided_slice %get3A_74 {offsets = [4], sizes = [1], strides = [1]} : vector<16xi32> to vector<1xi32>
        %squeeze3A_357 = vector.extract %slice3A_356[0] : i32 from vector<1xi32>
        %slice3A_358 = vector.extract_strided_slice %get3A_74 {offsets = [5], sizes = [1], strides = [1]} : vector<16xi32> to vector<1xi32>
        %squeeze3A_359 = vector.extract %slice3A_358[0] : i32 from vector<1xi32>
        %and3A_360 = arith.constant 65535 : i32
        %and3A_361 = arith.andi %squeeze3A_357, %and3A_360 : i32
        %get3A_362 = arith.index_cast %and3A_361 : i32 to index
        %get3A_363 = tpu.vector_load %arg5[%get3A_362] {strides = array<i32>} : memref<65536xf32, #tpu.memory_space<vmem>>, vector<16xf32>,
        %shift_right_logical3A_364 = arith.constant 16 : i32
        %shift_right_logical3A_365 = arith.shrui %squeeze3A_357, %shift_right_logical3A_364 : i32
        %get3A_366 = arith.index_cast %shift_right_logical3A_365 : i32 to index
        %get3A_367 = tpu.vector_load %arg5[%get3A_366] {strides = array<i32>} : memref<65536xf32, #tpu.memory_space<vmem>>, vector<16xf32>,
        %and3A_368 = arith.constant 65535 : i32
        %and3A_369 = arith.andi %squeeze3A_359, %and3A_368 : i32
        %get3A_370 = arith.index_cast %and3A_369 : i32 to index
        %get3A_371 = tpu.vector_load %arg5[%get3A_370] {strides = array<i32>} : memref<65536xf32, #tpu.memory_space<vmem>>, vector<16xf32>,
        %shift_right_logical3A_372 = arith.constant 16 : i32
        %shift_right_logical3A_373 = arith.shrui %squeeze3A_359, %shift_right_logical3A_372 : i32
        %get3A_374 = arith.index_cast %shift_right_logical3A_373 : i32 to index
        %get3A_375 = tpu.vector_load %arg5[%get3A_374] {strides = array<i32>} : memref<65536xf32, #tpu.memory_space<vmem>>, vector<16xf32>,
        %mul3A_376 = arith.mulf %get3A_363, %get3A_367 : vector<16xf32>
        %mul3A_377 = arith.mulf %get3A_371, %get3A_375 : vector<16xf32>
        %mul3A_378 = arith.mulf %mul3A_376, %mul3A_377 : vector<16xf32>
        %swap3A_379 = arith.constant 10 : i32
        %swap3A_380 = arith.index_cast %swap3A_379 : i32 to index
        %swap3A_381 = arith.constant 0 : index
        %swap3A_382 = tpu.vector_load %arg7[%swap3A_380, %swap3A_381] {strides = array<i32>} : memref<32x16xf32, #tpu.memory_space<vmem>>, vector<16xf32>,
        tpu.vector_store %arg7[%swap3A_380, %swap3A_381], %mul3A_378 {strides = array<i32>} : memref<32x16xf32, #tpu.memory_space<vmem>>, vector<16xf32>,
        %max3A_383 = arith.maximumf %max3A_355, %mul3A_378 : vector<16xf32>
        %slice3A_384 = vector.extract_strided_slice %get3A_74 {offsets = [6], sizes = [1], strides = [1]} : vector<16xi32> to vector<1xi32>
        %squeeze3A_385 = vector.extract %slice3A_384[0] : i32 from vector<1xi32>
        %slice3A_386 = vector.extract_strided_slice %get3A_74 {offsets = [7], sizes = [1], strides = [1]} : vector<16xi32> to vector<1xi32>
        %squeeze3A_387 = vector.extract %slice3A_386[0] : i32 from vector<1xi32>
        %and3A_388 = arith.constant 65535 : i32
        %and3A_389 = arith.andi %squeeze3A_385, %and3A_388 : i32
        %get3A_390 = arith.index_cast %and3A_389 : i32 to index
        %get3A_391 = tpu.vector_load %arg5[%get3A_390] {strides = array<i32>} : memref<65536xf32, #tpu.memory_space<vmem>>, vector<16xf32>,
        %shift_right_logical3A_392 = arith.constant 16 : i32
        %shift_right_logical3A_393 = arith.shrui %squeeze3A_385, %shift_right_logical3A_392 : i32
        %get3A_394 = arith.index_cast %shift_right_logical3A_393 : i32 to index
        %get3A_395 = tpu.vector_load %arg5[%get3A_394] {strides = array<i32>} : memref<65536xf32, #tpu.memory_space<vmem>>, vector<16xf32>,
        %and3A_396 = arith.constant 65535 : i32
        %and3A_397 = arith.andi %squeeze3A_387, %and3A_396 : i32
        %get3A_398 = arith.index_cast %and3A_397 : i32 to index
        %get3A_399 = tpu.vector_load %arg5[%get3A_398] {strides = array<i32>} : memref<65536xf32, #tpu.memory_space<vmem>>, vector<16xf32>,
        %shift_right_logical3A_400 = arith.constant 16 : i32
        %shift_right_logical3A_401 = arith.shrui %squeeze3A_387, %shift_right_logical3A_400 : i32
        %get3A_402 = arith.index_cast %shift_right_logical3A_401 : i32 to index
        %get3A_403 = tpu.vector_load %arg5[%get3A_402] {strides = array<i32>} : memref<65536xf32, #tpu.memory_space<vmem>>, vector<16xf32>,
        %mul3A_404 = arith.mulf %get3A_391, %get3A_395 : vector<16xf32>
        %mul3A_405 = arith.mulf %get3A_399, %get3A_403 : vector<16xf32>
        %mul3A_406 = arith.mulf %mul3A_404, %mul3A_405 : vector<16xf32>
        %swap3A_407 = arith.constant 11 : i32
        %swap3A_408 = arith.index_cast %swap3A_407 : i32 to index
        %swap3A_409 = arith.constant 0 : index
        %swap3A_410 = tpu.vector_load %arg7[%swap3A_408, %swap3A_409] {strides = array<i32>} : memref<32x16xf32, #tpu.memory_space<vmem>>, vector<16xf32>,
        tpu.vector_store %arg7[%swap3A_408, %swap3A_409], %mul3A_406 {strides = array<i32>} : memref<32x16xf32, #tpu.memory_space<vmem>>, vector<16xf32>,
        %max3A_411 = arith.maximumf %max3A_383, %mul3A_406 : vector<16xf32>
        %slice3A_412 = vector.extract_strided_slice %get3A_74 {offsets = [8], sizes = [1], strides = [1]} : vector<16xi32> to vector<1xi32>
        %squeeze3A_413 = vector.extract %slice3A_412[0] : i32 from vector<1xi32>
        %slice3A_414 = vector.extract_strided_slice %get3A_74 {offsets = [9], sizes = [1], strides = [1]} : vector<16xi32> to vector<1xi32>
        %squeeze3A_415 = vector.extract %slice3A_414[0] : i32 from vector<1xi32>
        %and3A_416 = arith.constant 65535 : i32
        %and3A_417 = arith.andi %squeeze3A_413, %and3A_416 : i32
        %get3A_418 = arith.index_cast %and3A_417 : i32 to index
        %get3A_419 = tpu.vector_load %arg5[%get3A_418] {strides = array<i32>} : memref<65536xf32, #tpu.memory_space<vmem>>, vector<16xf32>,
        %shift_right_logical3A_420 = arith.constant 16 : i32
        %shift_right_logical3A_421 = arith.shrui %squeeze3A_413, %shift_right_logical3A_420 : i32
        %get3A_422 = arith.index_cast %shift_right_logical3A_421 : i32 to index
        %get3A_423 = tpu.vector_load %arg5[%get3A_422] {strides = array<i32>} : memref<65536xf32, #tpu.memory_space<vmem>>, vector<16xf32>,
        %and3A_424 = arith.constant 65535 : i32
        %and3A_425 = arith.andi %squeeze3A_415, %and3A_424 : i32
        %get3A_426 = arith.index_cast %and3A_425 : i32 to index
        %get3A_427 = tpu.vector_load %arg5[%get3A_426] {strides = array<i32>} : memref<65536xf32, #tpu.memory_space<vmem>>, vector<16xf32>,
        %shift_right_logical3A_428 = arith.constant 16 : i32
        %shift_right_logical3A_429 = arith.shrui %squeeze3A_415, %shift_right_logical3A_428 : i32
        %get3A_430 = arith.index_cast %shift_right_logical3A_429 : i32 to index
        %get3A_431 = tpu.vector_load %arg5[%get3A_430] {strides = array<i32>} : memref<65536xf32, #tpu.memory_space<vmem>>, vector<16xf32>,
        %mul3A_432 = arith.mulf %get3A_419, %get3A_423 : vector<16xf32>
        %mul3A_433 = arith.mulf %get3A_427, %get3A_431 : vector<16xf32>
        %mul3A_434 = arith.mulf %mul3A_432, %mul3A_433 : vector<16xf32>
        %swap3A_435 = arith.constant 12 : i32
        %swap3A_436 = arith.index_cast %swap3A_435 : i32 to index
        %swap3A_437 = arith.constant 0 : index
        %swap3A_438 = tpu.vector_load %arg7[%swap3A_436, %swap3A_437] {strides = array<i32>} : memref<32x16xf32, #tpu.memory_space<vmem>>, vector<16xf32>,
        tpu.vector_store %arg7[%swap3A_436, %swap3A_437], %mul3A_434 {strides = array<i32>} : memref<32x16xf32, #tpu.memory_space<vmem>>, vector<16xf32>,
        %max3A_439 = arith.maximumf %max3A_411, %mul3A_434 : vector<16xf32>
        %slice3A_440 = vector.extract_strided_slice %get3A_74 {offsets = [10], sizes = [1], strides = [1]} : vector<16xi32> to vector<1xi32>
        %squeeze3A_441 = vector.extract %slice3A_440[0] : i32 from vector<1xi32>
        %slice3A_442 = vector.extract_strided_slice %get3A_74 {offsets = [11], sizes = [1], strides = [1]} : vector<16xi32> to vector<1xi32>
        %squeeze3A_443 = vector.extract %slice3A_442[0] : i32 from vector<1xi32>
        %and3A_444 = arith.constant 65535 : i32
        %and3A_445 = arith.andi %squeeze3A_441, %and3A_444 : i32
        %get3A_446 = arith.index_cast %and3A_445 : i32 to index
        %get3A_447 = tpu.vector_load %arg5[%get3A_446] {strides = array<i32>} : memref<65536xf32, #tpu.memory_space<vmem>>, vector<16xf32>,
        %shift_right_logical3A_448 = arith.constant 16 : i32
        %shift_right_logical3A_449 = arith.shrui %squeeze3A_441, %shift_right_logical3A_448 : i32
        %get3A_450 = arith.index_cast %shift_right_logical3A_449 : i32 to index
        %get3A_451 = tpu.vector_load %arg5[%get3A_450] {strides = array<i32>} : memref<65536xf32, #tpu.memory_space<vmem>>, vector<16xf32>,
        %and3A_452 = arith.constant 65535 : i32
        %and3A_453 = arith.andi %squeeze3A_443, %and3A_452 : i32
        %get3A_454 = arith.index_cast %and3A_453 : i32 to index
        %get3A_455 = tpu.vector_load %arg5[%get3A_454] {strides = array<i32>} : memref<65536xf32, #tpu.memory_space<vmem>>, vector<16xf32>,
        %shift_right_logical3A_456 = arith.constant 16 : i32
        %shift_right_logical3A_457 = arith.shrui %squeeze3A_443, %shift_right_logical3A_456 : i32
        %get3A_458 = arith.index_cast %shift_right_logical3A_457 : i32 to index
        %get3A_459 = tpu.vector_load %arg5[%get3A_458] {strides = array<i32>} : memref<65536xf32, #tpu.memory_space<vmem>>, vector<16xf32>,
        %mul3A_460 = arith.mulf %get3A_447, %get3A_451 : vector<16xf32>
        %mul3A_461 = arith.mulf %get3A_455, %get3A_459 : vector<16xf32>
        %mul3A_462 = arith.mulf %mul3A_460, %mul3A_461 : vector<16xf32>
        %swap3A_463 = arith.constant 13 : i32
        %swap3A_464 = arith.index_cast %swap3A_463 : i32 to index
        %swap3A_465 = arith.constant 0 : index
        %swap3A_466 = tpu.vector_load %arg7[%swap3A_464, %swap3A_465] {strides = array<i32>} : memref<32x16xf32, #tpu.memory_space<vmem>>, vector<16xf32>,
        tpu.vector_store %arg7[%swap3A_464, %swap3A_465], %mul3A_462 {strides = array<i32>} : memref<32x16xf32, #tpu.memory_space<vmem>>, vector<16xf32>,
        %max3A_467 = arith.maximumf %max3A_439, %mul3A_462 : vector<16xf32>
        %slice3A_468 = vector.extract_strided_slice %get3A_74 {offsets = [12], sizes = [1], strides = [1]} : vector<16xi32> to vector<1xi32>
        %squeeze3A_469 = vector.extract %slice3A_468[0] : i32 from vector<1xi32>
        %slice3A_470 = vector.extract_strided_slice %get3A_74 {offsets = [13], sizes = [1], strides = [1]} : vector<16xi32> to vector<1xi32>
        %squeeze3A_471 = vector.extract %slice3A_470[0] : i32 from vector<1xi32>
        %and3A_472 = arith.constant 65535 : i32
        %and3A_473 = arith.andi %squeeze3A_469, %and3A_472 : i32
        %get3A_474 = arith.index_cast %and3A_473 : i32 to index
        %get3A_475 = tpu.vector_load %arg5[%get3A_474] {strides = array<i32>} : memref<65536xf32, #tpu.memory_space<vmem>>, vector<16xf32>,
        %shift_right_logical3A_476 = arith.constant 16 : i32
        %shift_right_logical3A_477 = arith.shrui %squeeze3A_469, %shift_right_logical3A_476 : i32
        %get3A_478 = arith.index_cast %shift_right_logical3A_477 : i32 to index
        %get3A_479 = tpu.vector_load %arg5[%get3A_478] {strides = array<i32>} : memref<65536xf32, #tpu.memory_space<vmem>>, vector<16xf32>,
        %and3A_480 = arith.constant 65535 : i32
        %and3A_481 = arith.andi %squeeze3A_471, %and3A_480 : i32
        %get3A_482 = arith.index_cast %and3A_481 : i32 to index
        %get3A_483 = tpu.vector_load %arg5[%get3A_482] {strides = array<i32>} : memref<65536xf32, #tpu.memory_space<vmem>>, vector<16xf32>,
        %shift_right_logical3A_484 = arith.constant 16 : i32
        %shift_right_logical3A_485 = arith.shrui %squeeze3A_471, %shift_right_logical3A_484 : i32
        %get3A_486 = arith.index_cast %shift_right_logical3A_485 : i32 to index
        %get3A_487 = tpu.vector_load %arg5[%get3A_486] {strides = array<i32>} : memref<65536xf32, #tpu.memory_space<vmem>>, vector<16xf32>,
        %mul3A_488 = arith.mulf %get3A_475, %get3A_479 : vector<16xf32>
        %mul3A_489 = arith.mulf %get3A_483, %get3A_487 : vector<16xf32>
        %mul3A_490 = arith.mulf %mul3A_488, %mul3A_489 : vector<16xf32>
        %swap3A_491 = arith.constant 14 : i32
        %swap3A_492 = arith.index_cast %swap3A_491 : i32 to index
        %swap3A_493 = arith.constant 0 : index
        %swap3A_494 = tpu.vector_load %arg7[%swap3A_492, %swap3A_493] {strides = array<i32>} : memref<32x16xf32, #tpu.memory_space<vmem>>, vector<16xf32>,
        tpu.vector_store %arg7[%swap3A_492, %swap3A_493], %mul3A_490 {strides = array<i32>} : memref<32x16xf32, #tpu.memory_space<vmem>>, vector<16xf32>,
        %max3A_495 = arith.maximumf %max3A_467, %mul3A_490 : vector<16xf32>
        %slice3A_496 = vector.extract_strided_slice %get3A_74 {offsets = [14], sizes = [1], strides = [1]} : vector<16xi32> to vector<1xi32>
        %squeeze3A_497 = vector.extract %slice3A_496[0] : i32 from vector<1xi32>
        %slice3A_498 = vector.extract_strided_slice %get3A_74 {offsets = [15], sizes = [1], strides = [1]} : vector<16xi32> to vector<1xi32>
        %squeeze3A_499 = vector.extract %slice3A_498[0] : i32 from vector<1xi32>
        %and3A_500 = arith.constant 65535 : i32
        %and3A_501 = arith.andi %squeeze3A_497, %and3A_500 : i32
        %get3A_502 = arith.index_cast %and3A_501 : i32 to index
        %get3A_503 = tpu.vector_load %arg5[%get3A_502] {strides = array<i32>} : memref<65536xf32, #tpu.memory_space<vmem>>, vector<16xf32>,
        %shift_right_logical3A_504 = arith.constant 16 : i32
        %shift_right_logical3A_505 = arith.shrui %squeeze3A_497, %shift_right_logical3A_504 : i32
        %get3A_506 = arith.index_cast %shift_right_logical3A_505 : i32 to index
        %get3A_507 = tpu.vector_load %arg5[%get3A_506] {strides = array<i32>} : memref<65536xf32, #tpu.memory_space<vmem>>, vector<16xf32>,
        %and3A_508 = arith.constant 65535 : i32
        %and3A_509 = arith.andi %squeeze3A_499, %and3A_508 : i32
        %get3A_510 = arith.index_cast %and3A_509 : i32 to index
        %get3A_511 = tpu.vector_load %arg5[%get3A_510] {strides = array<i32>} : memref<65536xf32, #tpu.memory_space<vmem>>, vector<16xf32>,
        %shift_right_logical3A_512 = arith.constant 16 : i32
        %shift_right_logical3A_513 = arith.shrui %squeeze3A_499, %shift_right_logical3A_512 : i32
        %get3A_514 = arith.index_cast %shift_right_logical3A_513 : i32 to index
        %get3A_515 = tpu.vector_load %arg5[%get3A_514] {strides = array<i32>} : memref<65536xf32, #tpu.memory_space<vmem>>, vector<16xf32>,
        %mul3A_516 = arith.mulf %get3A_503, %get3A_507 : vector<16xf32>
        %mul3A_517 = arith.mulf %get3A_511, %get3A_515 : vector<16xf32>
        %mul3A_518 = arith.mulf %mul3A_516, %mul3A_517 : vector<16xf32>
        %swap3A_519 = arith.constant 15 : i32
        %swap3A_520 = arith.index_cast %swap3A_519 : i32 to index
        %swap3A_521 = arith.constant 0 : index
        %swap3A_522 = tpu.vector_load %arg7[%swap3A_520, %swap3A_521] {strides = array<i32>} : memref<32x16xf32, #tpu.memory_space<vmem>>, vector<16xf32>,
        tpu.vector_store %arg7[%swap3A_520, %swap3A_521], %mul3A_518 {strides = array<i32>} : memref<32x16xf32, #tpu.memory_space<vmem>>, vector<16xf32>,
        %max3A_523 = arith.maximumf %max3A_495, %mul3A_518 : vector<16xf32>
        %slice3A_524 = vector.extract_strided_slice %get3A_78 {offsets = [0], sizes = [1], strides = [1]} : vector<16xi32> to vector<1xi32>
        %squeeze3A_525 = vector.extract %slice3A_524[0] : i32 from vector<1xi32>
        %slice3A_526 = vector.extract_strided_slice %get3A_78 {offsets = [1], sizes = [1], strides = [1]} : vector<16xi32> to vector<1xi32>
        %squeeze3A_527 = vector.extract %slice3A_526[0] : i32 from vector<1xi32>
        %and3A_528 = arith.constant 65535 : i32
        %and3A_529 = arith.andi %squeeze3A_525, %and3A_528 : i32
        %get3A_530 = arith.index_cast %and3A_529 : i32 to index
        %get3A_531 = tpu.vector_load %arg5[%get3A_530] {strides = array<i32>} : memref<65536xf32, #tpu.memory_space<vmem>>, vector<16xf32>,
        %shift_right_logical3A_532 = arith.constant 16 : i32
        %shift_right_logical3A_533 = arith.shrui %squeeze3A_525, %shift_right_logical3A_532 : i32
        %get3A_534 = arith.index_cast %shift_right_logical3A_533 : i32 to index
        %get3A_535 = tpu.vector_load %arg5[%get3A_534] {strides = array<i32>} : memref<65536xf32, #tpu.memory_space<vmem>>, vector<16xf32>,
        %and3A_536 = arith.constant 65535 : i32
        %and3A_537 = arith.andi %squeeze3A_527, %and3A_536 : i32
        %get3A_538 = arith.index_cast %and3A_537 : i32 to index
        %get3A_539 = tpu.vector_load %arg5[%get3A_538] {strides = array<i32>} : memref<65536xf32, #tpu.memory_space<vmem>>, vector<16xf32>,
        %shift_right_logical3A_540 = arith.constant 16 : i32
        %shift_right_logical3A_541 = arith.shrui %squeeze3A_527, %shift_right_logical3A_540 : i32
        %get3A_542 = arith.index_cast %shift_right_logical3A_541 : i32 to index
        %get3A_543 = tpu.vector_load %arg5[%get3A_542] {strides = array<i32>} : memref<65536xf32, #tpu.memory_space<vmem>>, vector<16xf32>,
        %mul3A_544 = arith.mulf %get3A_531, %get3A_535 : vector<16xf32>
        %mul3A_545 = arith.mulf %get3A_539, %get3A_543 : vector<16xf32>
        %mul3A_546 = arith.mulf %mul3A_544, %mul3A_545 : vector<16xf32>
        %swap3A_547 = arith.constant 16 : i32
        %swap3A_548 = arith.index_cast %swap3A_547 : i32 to index
        %swap3A_549 = arith.constant 0 : index
        %swap3A_550 = tpu.vector_load %arg7[%swap3A_548, %swap3A_549] {strides = array<i32>} : memref<32x16xf32, #tpu.memory_space<vmem>>, vector<16xf32>,
        tpu.vector_store %arg7[%swap3A_548, %swap3A_549], %mul3A_546 {strides = array<i32>} : memref<32x16xf32, #tpu.memory_space<vmem>>, vector<16xf32>,
        %max3A_551 = arith.maximumf %max3A_523, %mul3A_546 : vector<16xf32>
        %slice3A_552 = vector.extract_strided_slice %get3A_78 {offsets = [2], sizes = [1], strides = [1]} : vector<16xi32> to vector<1xi32>
        %squeeze3A_553 = vector.extract %slice3A_552[0] : i32 from vector<1xi32>
        %slice3A_554 = vector.extract_strided_slice %get3A_78 {offsets = [3], sizes = [1], strides = [1]} : vector<16xi32> to vector<1xi32>
        %squeeze3A_555 = vector.extract %slice3A_554[0] : i32 from vector<1xi32>
        %and3A_556 = arith.constant 65535 : i32
        %and3A_557 = arith.andi %squeeze3A_553, %and3A_556 : i32
        %get3A_558 = arith.index_cast %and3A_557 : i32 to index
        %get3A_559 = tpu.vector_load %arg5[%get3A_558] {strides = array<i32>} : memref<65536xf32, #tpu.memory_space<vmem>>, vector<16xf32>,
        %shift_right_logical3A_560 = arith.constant 16 : i32
        %shift_right_logical3A_561 = arith.shrui %squeeze3A_553, %shift_right_logical3A_560 : i32
        %get3A_562 = arith.index_cast %shift_right_logical3A_561 : i32 to index
        %get3A_563 = tpu.vector_load %arg5[%get3A_562] {strides = array<i32>} : memref<65536xf32, #tpu.memory_space<vmem>>, vector<16xf32>,
        %and3A_564 = arith.constant 65535 : i32
        %and3A_565 = arith.andi %squeeze3A_555, %and3A_564 : i32
        %get3A_566 = arith.index_cast %and3A_565 : i32 to index
        %get3A_567 = tpu.vector_load %arg5[%get3A_566] {strides = array<i32>} : memref<65536xf32, #tpu.memory_space<vmem>>, vector<16xf32>,
        %shift_right_logical3A_568 = arith.constant 16 : i32
        %shift_right_logical3A_569 = arith.shrui %squeeze3A_555, %shift_right_logical3A_568 : i32
        %get3A_570 = arith.index_cast %shift_right_logical3A_569 : i32 to index
        %get3A_571 = tpu.vector_load %arg5[%get3A_570] {strides = array<i32>} : memref<65536xf32, #tpu.memory_space<vmem>>, vector<16xf32>,
        %mul3A_572 = arith.mulf %get3A_559, %get3A_563 : vector<16xf32>
        %mul3A_573 = arith.mulf %get3A_567, %get3A_571 : vector<16xf32>
        %mul3A_574 = arith.mulf %mul3A_572, %mul3A_573 : vector<16xf32>
        %swap3A_575 = arith.constant 17 : i32
        %swap3A_576 = arith.index_cast %swap3A_575 : i32 to index
        %swap3A_577 = arith.constant 0 : index
        %swap3A_578 = tpu.vector_load %arg7[%swap3A_576, %swap3A_577] {strides = array<i32>} : memref<32x16xf32, #tpu.memory_space<vmem>>, vector<16xf32>,
        tpu.vector_store %arg7[%swap3A_576, %swap3A_577], %mul3A_574 {strides = array<i32>} : memref<32x16xf32, #tpu.memory_space<vmem>>, vector<16xf32>,
        %max3A_579 = arith.maximumf %max3A_551, %mul3A_574 : vector<16xf32>
        %slice3A_580 = vector.extract_strided_slice %get3A_78 {offsets = [4], sizes = [1], strides = [1]} : vector<16xi32> to vector<1xi32>
        %squeeze3A_581 = vector.extract %slice3A_580[0] : i32 from vector<1xi32>
        %slice3A_582 = vector.extract_strided_slice %get3A_78 {offsets = [5], sizes = [1], strides = [1]} : vector<16xi32> to vector<1xi32>
        %squeeze3A_583 = vector.extract %slice3A_582[0] : i32 from vector<1xi32>
        %and3A_584 = arith.constant 65535 : i32
        %and3A_585 = arith.andi %squeeze3A_581, %and3A_584 : i32
        %get3A_586 = arith.index_cast %and3A_585 : i32 to index
        %get3A_587 = tpu.vector_load %arg5[%get3A_586] {strides = array<i32>} : memref<65536xf32, #tpu.memory_space<vmem>>, vector<16xf32>,
        %shift_right_logical3A_588 = arith.constant 16 : i32
        %shift_right_logical3A_589 = arith.shrui %squeeze3A_581, %shift_right_logical3A_588 : i32
        %get3A_590 = arith.index_cast %shift_right_logical3A_589 : i32 to index
        %get3A_591 = tpu.vector_load %arg5[%get3A_590] {strides = array<i32>} : memref<65536xf32, #tpu.memory_space<vmem>>, vector<16xf32>,
        %and3A_592 = arith.constant 65535 : i32
        %and3A_593 = arith.andi %squeeze3A_583, %and3A_592 : i32
        %get3A_594 = arith.index_cast %and3A_593 : i32 to index
        %get3A_595 = tpu.vector_load %arg5[%get3A_594] {strides = array<i32>} : memref<65536xf32, #tpu.memory_space<vmem>>, vector<16xf32>,
        %shift_right_logical3A_596 = arith.constant 16 : i32
        %shift_right_logical3A_597 = arith.shrui %squeeze3A_583, %shift_right_logical3A_596 : i32
        %get3A_598 = arith.index_cast %shift_right_logical3A_597 : i32 to index
        %get3A_599 = tpu.vector_load %arg5[%get3A_598] {strides = array<i32>} : memref<65536xf32, #tpu.memory_space<vmem>>, vector<16xf32>,
        %mul3A_600 = arith.mulf %get3A_587, %get3A_591 : vector<16xf32>
        %mul3A_601 = arith.mulf %get3A_595, %get3A_599 : vector<16xf32>
        %mul3A_602 = arith.mulf %mul3A_600, %mul3A_601 : vector<16xf32>
        %swap3A_603 = arith.constant 18 : i32
        %swap3A_604 = arith.index_cast %swap3A_603 : i32 to index
        %swap3A_605 = arith.constant 0 : index
        %swap3A_606 = tpu.vector_load %arg7[%swap3A_604, %swap3A_605] {strides = array<i32>} : memref<32x16xf32, #tpu.memory_space<vmem>>, vector<16xf32>,
        tpu.vector_store %arg7[%swap3A_604, %swap3A_605], %mul3A_602 {strides = array<i32>} : memref<32x16xf32, #tpu.memory_space<vmem>>, vector<16xf32>,
        %max3A_607 = arith.maximumf %max3A_579, %mul3A_602 : vector<16xf32>
        %slice3A_608 = vector.extract_strided_slice %get3A_78 {offsets = [6], sizes = [1], strides = [1]} : vector<16xi32> to vector<1xi32>
        %squeeze3A_609 = vector.extract %slice3A_608[0] : i32 from vector<1xi32>
        %slice3A_610 = vector.extract_strided_slice %get3A_78 {offsets = [7], sizes = [1], strides = [1]} : vector<16xi32> to vector<1xi32>
        %squeeze3A_611 = vector.extract %slice3A_610[0] : i32 from vector<1xi32>
        %and3A_612 = arith.constant 65535 : i32
        %and3A_613 = arith.andi %squeeze3A_609, %and3A_612 : i32
        %get3A_614 = arith.index_cast %and3A_613 : i32 to index
        %get3A_615 = tpu.vector_load %arg5[%get3A_614] {strides = array<i32>} : memref<65536xf32, #tpu.memory_space<vmem>>, vector<16xf32>,
        %shift_right_logical3A_616 = arith.constant 16 : i32
        %shift_right_logical3A_617 = arith.shrui %squeeze3A_609, %shift_right_logical3A_616 : i32
        %get3A_618 = arith.index_cast %shift_right_logical3A_617 : i32 to index
        %get3A_619 = tpu.vector_load %arg5[%get3A_618] {strides = array<i32>} : memref<65536xf32, #tpu.memory_space<vmem>>, vector<16xf32>,
        %and3A_620 = arith.constant 65535 : i32
        %and3A_621 = arith.andi %squeeze3A_611, %and3A_620 : i32
        %get3A_622 = arith.index_cast %and3A_621 : i32 to index
        %get3A_623 = tpu.vector_load %arg5[%get3A_622] {strides = array<i32>} : memref<65536xf32, #tpu.memory_space<vmem>>, vector<16xf32>,
        %shift_right_logical3A_624 = arith.constant 16 : i32
        %shift_right_logical3A_625 = arith.shrui %squeeze3A_611, %shift_right_logical3A_624 : i32
        %get3A_626 = arith.index_cast %shift_right_logical3A_625 : i32 to index
        %get3A_627 = tpu.vector_load %arg5[%get3A_626] {strides = array<i32>} : memref<65536xf32, #tpu.memory_space<vmem>>, vector<16xf32>,
        %mul3A_628 = arith.mulf %get3A_615, %get3A_619 : vector<16xf32>
        %mul3A_629 = arith.mulf %get3A_623, %get3A_627 : vector<16xf32>
        %mul3A_630 = arith.mulf %mul3A_628, %mul3A_629 : vector<16xf32>
        %swap3A_631 = arith.constant 19 : i32
        %swap3A_632 = arith.index_cast %swap3A_631 : i32 to index
        %swap3A_633 = arith.constant 0 : index
        %swap3A_634 = tpu.vector_load %arg7[%swap3A_632, %swap3A_633] {strides = array<i32>} : memref<32x16xf32, #tpu.memory_space<vmem>>, vector<16xf32>,
        tpu.vector_store %arg7[%swap3A_632, %swap3A_633], %mul3A_630 {strides = array<i32>} : memref<32x16xf32, #tpu.memory_space<vmem>>, vector<16xf32>,
        %max3A_635 = arith.maximumf %max3A_607, %mul3A_630 : vector<16xf32>
        %slice3A_636 = vector.extract_strided_slice %get3A_78 {offsets = [8], sizes = [1], strides = [1]} : vector<16xi32> to vector<1xi32>
        %squeeze3A_637 = vector.extract %slice3A_636[0] : i32 from vector<1xi32>
        %slice3A_638 = vector.extract_strided_slice %get3A_78 {offsets = [9], sizes = [1], strides = [1]} : vector<16xi32> to vector<1xi32>
        %squeeze3A_639 = vector.extract %slice3A_638[0] : i32 from vector<1xi32>
        %and3A_640 = arith.constant 65535 : i32
        %and3A_641 = arith.andi %squeeze3A_637, %and3A_640 : i32
        %get3A_642 = arith.index_cast %and3A_641 : i32 to index
        %get3A_643 = tpu.vector_load %arg5[%get3A_642] {strides = array<i32>} : memref<65536xf32, #tpu.memory_space<vmem>>, vector<16xf32>,
        %shift_right_logical3A_644 = arith.constant 16 : i32
        %shift_right_logical3A_645 = arith.shrui %squeeze3A_637, %shift_right_logical3A_644 : i32
        %get3A_646 = arith.index_cast %shift_right_logical3A_645 : i32 to index
        %get3A_647 = tpu.vector_load %arg5[%get3A_646] {strides = array<i32>} : memref<65536xf32, #tpu.memory_space<vmem>>, vector<16xf32>,
        %and3A_648 = arith.constant 65535 : i32
        %and3A_649 = arith.andi %squeeze3A_639, %and3A_648 : i32
        %get3A_650 = arith.index_cast %and3A_649 : i32 to index
        %get3A_651 = tpu.vector_load %arg5[%get3A_650] {strides = array<i32>} : memref<65536xf32, #tpu.memory_space<vmem>>, vector<16xf32>,
        %shift_right_logical3A_652 = arith.constant 16 : i32
        %shift_right_logical3A_653 = arith.shrui %squeeze3A_639, %shift_right_logical3A_652 : i32
        %get3A_654 = arith.index_cast %shift_right_logical3A_653 : i32 to index
        %get3A_655 = tpu.vector_load %arg5[%get3A_654] {strides = array<i32>} : memref<65536xf32, #tpu.memory_space<vmem>>, vector<16xf32>,
        %mul3A_656 = arith.mulf %get3A_643, %get3A_647 : vector<16xf32>
        %mul3A_657 = arith.mulf %get3A_651, %get3A_655 : vector<16xf32>
        %mul3A_658 = arith.mulf %mul3A_656, %mul3A_657 : vector<16xf32>
        %swap3A_659 = arith.constant 20 : i32
        %swap3A_660 = arith.index_cast %swap3A_659 : i32 to index
        %swap3A_661 = arith.constant 0 : index
        %swap3A_662 = tpu.vector_load %arg7[%swap3A_660, %swap3A_661] {strides = array<i32>} : memref<32x16xf32, #tpu.memory_space<vmem>>, vector<16xf32>,
        tpu.vector_store %arg7[%swap3A_660, %swap3A_661], %mul3A_658 {strides = array<i32>} : memref<32x16xf32, #tpu.memory_space<vmem>>, vector<16xf32>,
        %max3A_663 = arith.maximumf %max3A_635, %mul3A_658 : vector<16xf32>
        %slice3A_664 = vector.extract_strided_slice %get3A_78 {offsets = [10], sizes = [1], strides = [1]} : vector<16xi32> to vector<1xi32>
        %squeeze3A_665 = vector.extract %slice3A_664[0] : i32 from vector<1xi32>
        %slice3A_666 = vector.extract_strided_slice %get3A_78 {offsets = [11], sizes = [1], strides = [1]} : vector<16xi32> to vector<1xi32>
        %squeeze3A_667 = vector.extract %slice3A_666[0] : i32 from vector<1xi32>
        %and3A_668 = arith.constant 65535 : i32
        %and3A_669 = arith.andi %squeeze3A_665, %and3A_668 : i32
        %get3A_670 = arith.index_cast %and3A_669 : i32 to index
        %get3A_671 = tpu.vector_load %arg5[%get3A_670] {strides = array<i32>} : memref<65536xf32, #tpu.memory_space<vmem>>, vector<16xf32>,
        %shift_right_logical3A_672 = arith.constant 16 : i32
        %shift_right_logical3A_673 = arith.shrui %squeeze3A_665, %shift_right_logical3A_672 : i32
        %get3A_674 = arith.index_cast %shift_right_logical3A_673 : i32 to index
        %get3A_675 = tpu.vector_load %arg5[%get3A_674] {strides = array<i32>} : memref<65536xf32, #tpu.memory_space<vmem>>, vector<16xf32>,
        %and3A_676 = arith.constant 65535 : i32
        %and3A_677 = arith.andi %squeeze3A_667, %and3A_676 : i32
        %get3A_678 = arith.index_cast %and3A_677 : i32 to index
        %get3A_679 = tpu.vector_load %arg5[%get3A_678] {strides = array<i32>} : memref<65536xf32, #tpu.memory_space<vmem>>, vector<16xf32>,
        %shift_right_logical3A_680 = arith.constant 16 : i32
        %shift_right_logical3A_681 = arith.shrui %squeeze3A_667, %shift_right_logical3A_680 : i32
        %get3A_682 = arith.index_cast %shift_right_logical3A_681 : i32 to index
        %get3A_683 = tpu.vector_load %arg5[%get3A_682] {strides = array<i32>} : memref<65536xf32, #tpu.memory_space<vmem>>, vector<16xf32>,
        %mul3A_684 = arith.mulf %get3A_671, %get3A_675 : vector<16xf32>
        %mul3A_685 = arith.mulf %get3A_679, %get3A_683 : vector<16xf32>
        %mul3A_686 = arith.mulf %mul3A_684, %mul3A_685 : vector<16xf32>
        %swap3A_687 = arith.constant 21 : i32
        %swap3A_688 = arith.index_cast %swap3A_687 : i32 to index
        %swap3A_689 = arith.constant 0 : index
        %swap3A_690 = tpu.vector_load %arg7[%swap3A_688, %swap3A_689] {strides = array<i32>} : memref<32x16xf32, #tpu.memory_space<vmem>>, vector<16xf32>,
        tpu.vector_store %arg7[%swap3A_688, %swap3A_689], %mul3A_686 {strides = array<i32>} : memref<32x16xf32, #tpu.memory_space<vmem>>, vector<16xf32>,
        %max3A_691 = arith.maximumf %max3A_663, %mul3A_686 : vector<16xf32>
        %slice3A_692 = vector.extract_strided_slice %get3A_78 {offsets = [12], sizes = [1], strides = [1]} : vector<16xi32> to vector<1xi32>
        %squeeze3A_693 = vector.extract %slice3A_692[0] : i32 from vector<1xi32>
        %slice3A_694 = vector.extract_strided_slice %get3A_78 {offsets = [13], sizes = [1], strides = [1]} : vector<16xi32> to vector<1xi32>
        %squeeze3A_695 = vector.extract %slice3A_694[0] : i32 from vector<1xi32>
        %and3A_696 = arith.constant 65535 : i32
        %and3A_697 = arith.andi %squeeze3A_693, %and3A_696 : i32
        %get3A_698 = arith.index_cast %and3A_697 : i32 to index
        %get3A_699 = tpu.vector_load %arg5[%get3A_698] {strides = array<i32>} : memref<65536xf32, #tpu.memory_space<vmem>>, vector<16xf32>,
        %shift_right_logical3A_700 = arith.constant 16 : i32
        %shift_right_logical3A_701 = arith.shrui %squeeze3A_693, %shift_right_logical3A_700 : i32
        %get3A_702 = arith.index_cast %shift_right_logical3A_701 : i32 to index
        %get3A_703 = tpu.vector_load %arg5[%get3A_702] {strides = array<i32>} : memref<65536xf32, #tpu.memory_space<vmem>>, vector<16xf32>,
        %and3A_704 = arith.constant 65535 : i32
        %and3A_705 = arith.andi %squeeze3A_695, %and3A_704 : i32
        %get3A_706 = arith.index_cast %and3A_705 : i32 to index
        %get3A_707 = tpu.vector_load %arg5[%get3A_706] {strides = array<i32>} : memref<65536xf32, #tpu.memory_space<vmem>>, vector<16xf32>,
        %shift_right_logical3A_708 = arith.constant 16 : i32
        %shift_right_logical3A_709 = arith.shrui %squeeze3A_695, %shift_right_logical3A_708 : i32
        %get3A_710 = arith.index_cast %shift_right_logical3A_709 : i32 to index
        %get3A_711 = tpu.vector_load %arg5[%get3A_710] {strides = array<i32>} : memref<65536xf32, #tpu.memory_space<vmem>>, vector<16xf32>,
        %mul3A_712 = arith.mulf %get3A_699, %get3A_703 : vector<16xf32>
        %mul3A_713 = arith.mulf %get3A_707, %get3A_711 : vector<16xf32>
        %mul3A_714 = arith.mulf %mul3A_712, %mul3A_713 : vector<16xf32>
        %swap3A_715 = arith.constant 22 : i32
        %swap3A_716 = arith.index_cast %swap3A_715 : i32 to index
        %swap3A_717 = arith.constant 0 : index
        %swap3A_718 = tpu.vector_load %arg7[%swap3A_716, %swap3A_717] {strides = array<i32>} : memref<32x16xf32, #tpu.memory_space<vmem>>, vector<16xf32>,
        tpu.vector_store %arg7[%swap3A_716, %swap3A_717], %mul3A_714 {strides = array<i32>} : memref<32x16xf32, #tpu.memory_space<vmem>>, vector<16xf32>,
        %max3A_719 = arith.maximumf %max3A_691, %mul3A_714 : vector<16xf32>
        %slice3A_720 = vector.extract_strided_slice %get3A_78 {offsets = [14], sizes = [1], strides = [1]} : vector<16xi32> to vector<1xi32>
        %squeeze3A_721 = vector.extract %slice3A_720[0] : i32 from vector<1xi32>
        %slice3A_722 = vector.extract_strided_slice %get3A_78 {offsets = [15], sizes = [1], strides = [1]} : vector<16xi32> to vector<1xi32>
        %squeeze3A_723 = vector.extract %slice3A_722[0] : i32 from vector<1xi32>
        %and3A_724 = arith.constant 65535 : i32
        %and3A_725 = arith.andi %squeeze3A_721, %and3A_724 : i32
        %get3A_726 = arith.index_cast %and3A_725 : i32 to index
        %get3A_727 = tpu.vector_load %arg5[%get3A_726] {strides = array<i32>} : memref<65536xf32, #tpu.memory_space<vmem>>, vector<16xf32>,
        %shift_right_logical3A_728 = arith.constant 16 : i32
        %shift_right_logical3A_729 = arith.shrui %squeeze3A_721, %shift_right_logical3A_728 : i32
        %get3A_730 = arith.index_cast %shift_right_logical3A_729 : i32 to index
        %get3A_731 = tpu.vector_load %arg5[%get3A_730] {strides = array<i32>} : memref<65536xf32, #tpu.memory_space<vmem>>, vector<16xf32>,
        %and3A_732 = arith.constant 65535 : i32
        %and3A_733 = arith.andi %squeeze3A_723, %and3A_732 : i32
        %get3A_734 = arith.index_cast %and3A_733 : i32 to index
        %get3A_735 = tpu.vector_load %arg5[%get3A_734] {strides = array<i32>} : memref<65536xf32, #tpu.memory_space<vmem>>, vector<16xf32>,
        %shift_right_logical3A_736 = arith.constant 16 : i32
        %shift_right_logical3A_737 = arith.shrui %squeeze3A_723, %shift_right_logical3A_736 : i32
        %get3A_738 = arith.index_cast %shift_right_logical3A_737 : i32 to index
        %get3A_739 = tpu.vector_load %arg5[%get3A_738] {strides = array<i32>} : memref<65536xf32, #tpu.memory_space<vmem>>, vector<16xf32>,
        %mul3A_740 = arith.mulf %get3A_727, %get3A_731 : vector<16xf32>
        %mul3A_741 = arith.mulf %get3A_735, %get3A_739 : vector<16xf32>
        %mul3A_742 = arith.mulf %mul3A_740, %mul3A_741 : vector<16xf32>
        %swap3A_743 = arith.constant 23 : i32
        %swap3A_744 = arith.index_cast %swap3A_743 : i32 to index
        %swap3A_745 = arith.constant 0 : index
        %swap3A_746 = tpu.vector_load %arg7[%swap3A_744, %swap3A_745] {strides = array<i32>} : memref<32x16xf32, #tpu.memory_space<vmem>>, vector<16xf32>,
        tpu.vector_store %arg7[%swap3A_744, %swap3A_745], %mul3A_742 {strides = array<i32>} : memref<32x16xf32, #tpu.memory_space<vmem>>, vector<16xf32>,
        %max3A_747 = arith.maximumf %max3A_719, %mul3A_742 : vector<16xf32>
        %slice3A_748 = vector.extract_strided_slice %get3A_82 {offsets = [0], sizes = [1], strides = [1]} : vector<16xi32> to vector<1xi32>
        %squeeze3A_749 = vector.extract %slice3A_748[0] : i32 from vector<1xi32>
        %slice3A_750 = vector.extract_strided_slice %get3A_82 {offsets = [1], sizes = [1], strides = [1]} : vector<16xi32> to vector<1xi32>
        %squeeze3A_751 = vector.extract %slice3A_750[0] : i32 from vector<1xi32>
        %and3A_752 = arith.constant 65535 : i32
        %and3A_753 = arith.andi %squeeze3A_749, %and3A_752 : i32
        %get3A_754 = arith.index_cast %and3A_753 : i32 to index
        %get3A_755 = tpu.vector_load %arg5[%get3A_754] {strides = array<i32>} : memref<65536xf32, #tpu.memory_space<vmem>>, vector<16xf32>,
        %shift_right_logical3A_756 = arith.constant 16 : i32
        %shift_right_logical3A_757 = arith.shrui %squeeze3A_749, %shift_right_logical3A_756 : i32
        %get3A_758 = arith.index_cast %shift_right_logical3A_757 : i32 to index
        %get3A_759 = tpu.vector_load %arg5[%get3A_758] {strides = array<i32>} : memref<65536xf32, #tpu.memory_space<vmem>>, vector<16xf32>,
        %and3A_760 = arith.constant 65535 : i32
        %and3A_761 = arith.andi %squeeze3A_751, %and3A_760 : i32
        %get3A_762 = arith.index_cast %and3A_761 : i32 to index
        %get3A_763 = tpu.vector_load %arg5[%get3A_762] {strides = array<i32>} : memref<65536xf32, #tpu.memory_space<vmem>>, vector<16xf32>,
        %shift_right_logical3A_764 = arith.constant 16 : i32
        %shift_right_logical3A_765 = arith.shrui %squeeze3A_751, %shift_right_logical3A_764 : i32
        %get3A_766 = arith.index_cast %shift_right_logical3A_765 : i32 to index
        %get3A_767 = tpu.vector_load %arg5[%get3A_766] {strides = array<i32>} : memref<65536xf32, #tpu.memory_space<vmem>>, vector<16xf32>,
        %mul3A_768 = arith.mulf %get3A_755, %get3A_759 : vector<16xf32>
        %mul3A_769 = arith.mulf %get3A_763, %get3A_767 : vector<16xf32>
        %mul3A_770 = arith.mulf %mul3A_768, %mul3A_769 : vector<16xf32>
        %swap3A_771 = arith.constant 24 : i32
        %swap3A_772 = arith.index_cast %swap3A_771 : i32 to index
        %swap3A_773 = arith.constant 0 : index
        %swap3A_774 = tpu.vector_load %arg7[%swap3A_772, %swap3A_773] {strides = array<i32>} : memref<32x16xf32, #tpu.memory_space<vmem>>, vector<16xf32>,
        tpu.vector_store %arg7[%swap3A_772, %swap3A_773], %mul3A_770 {strides = array<i32>} : memref<32x16xf32, #tpu.memory_space<vmem>>, vector<16xf32>,
        %max3A_775 = arith.maximumf %max3A_747, %mul3A_770 : vector<16xf32>
        %slice3A_776 = vector.extract_strided_slice %get3A_82 {offsets = [2], sizes = [1], strides = [1]} : vector<16xi32> to vector<1xi32>
        %squeeze3A_777 = vector.extract %slice3A_776[0] : i32 from vector<1xi32>
        %slice3A_778 = vector.extract_strided_slice %get3A_82 {offsets = [3], sizes = [1], strides = [1]} : vector<16xi32> to vector<1xi32>
        %squeeze3A_779 = vector.extract %slice3A_778[0] : i32 from vector<1xi32>
        %and3A_780 = arith.constant 65535 : i32
        %and3A_781 = arith.andi %squeeze3A_777, %and3A_780 : i32
        %get3A_782 = arith.index_cast %and3A_781 : i32 to index
        %get3A_783 = tpu.vector_load %arg5[%get3A_782] {strides = array<i32>} : memref<65536xf32, #tpu.memory_space<vmem>>, vector<16xf32>,
        %shift_right_logical3A_784 = arith.constant 16 : i32
        %shift_right_logical3A_785 = arith.shrui %squeeze3A_777, %shift_right_logical3A_784 : i32
        %get3A_786 = arith.index_cast %shift_right_logical3A_785 : i32 to index
        %get3A_787 = tpu.vector_load %arg5[%get3A_786] {strides = array<i32>} : memref<65536xf32, #tpu.memory_space<vmem>>, vector<16xf32>,
        %and3A_788 = arith.constant 65535 : i32
        %and3A_789 = arith.andi %squeeze3A_779, %and3A_788 : i32
        %get3A_790 = arith.index_cast %and3A_789 : i32 to index
        %get3A_791 = tpu.vector_load %arg5[%get3A_790] {strides = array<i32>} : memref<65536xf32, #tpu.memory_space<vmem>>, vector<16xf32>,
        %shift_right_logical3A_792 = arith.constant 16 : i32
        %shift_right_logical3A_793 = arith.shrui %squeeze3A_779, %shift_right_logical3A_792 : i32
        %get3A_794 = arith.index_cast %shift_right_logical3A_793 : i32 to index
        %get3A_795 = tpu.vector_load %arg5[%get3A_794] {strides = array<i32>} : memref<65536xf32, #tpu.memory_space<vmem>>, vector<16xf32>,
        %mul3A_796 = arith.mulf %get3A_783, %get3A_787 : vector<16xf32>
        %mul3A_797 = arith.mulf %get3A_791, %get3A_795 : vector<16xf32>
        %mul3A_798 = arith.mulf %mul3A_796, %mul3A_797 : vector<16xf32>
        %swap3A_799 = arith.constant 25 : i32
        %swap3A_800 = arith.index_cast %swap3A_799 : i32 to index
        %swap3A_801 = arith.constant 0 : index
        %swap3A_802 = tpu.vector_load %arg7[%swap3A_800, %swap3A_801] {strides = array<i32>} : memref<32x16xf32, #tpu.memory_space<vmem>>, vector<16xf32>,
        tpu.vector_store %arg7[%swap3A_800, %swap3A_801], %mul3A_798 {strides = array<i32>} : memref<32x16xf32, #tpu.memory_space<vmem>>, vector<16xf32>,
        %max3A_803 = arith.maximumf %max3A_775, %mul3A_798 : vector<16xf32>
        %slice3A_804 = vector.extract_strided_slice %get3A_82 {offsets = [4], sizes = [1], strides = [1]} : vector<16xi32> to vector<1xi32>
        %squeeze3A_805 = vector.extract %slice3A_804[0] : i32 from vector<1xi32>
        %slice3A_806 = vector.extract_strided_slice %get3A_82 {offsets = [5], sizes = [1], strides = [1]} : vector<16xi32> to vector<1xi32>
        %squeeze3A_807 = vector.extract %slice3A_806[0] : i32 from vector<1xi32>
        %and3A_808 = arith.constant 65535 : i32
        %and3A_809 = arith.andi %squeeze3A_805, %and3A_808 : i32
        %get3A_810 = arith.index_cast %and3A_809 : i32 to index
        %get3A_811 = tpu.vector_load %arg5[%get3A_810] {strides = array<i32>} : memref<65536xf32, #tpu.memory_space<vmem>>, vector<16xf32>,
        %shift_right_logical3A_812 = arith.constant 16 : i32
        %shift_right_logical3A_813 = arith.shrui %squeeze3A_805, %shift_right_logical3A_812 : i32
        %get3A_814 = arith.index_cast %shift_right_logical3A_813 : i32 to index
        %get3A_815 = tpu.vector_load %arg5[%get3A_814] {strides = array<i32>} : memref<65536xf32, #tpu.memory_space<vmem>>, vector<16xf32>,
        %and3A_816 = arith.constant 65535 : i32
        %and3A_817 = arith.andi %squeeze3A_807, %and3A_816 : i32
        %get3A_818 = arith.index_cast %and3A_817 : i32 to index
        %get3A_819 = tpu.vector_load %arg5[%get3A_818] {strides = array<i32>} : memref<65536xf32, #tpu.memory_space<vmem>>, vector<16xf32>,
        %shift_right_logical3A_820 = arith.constant 16 : i32
        %shift_right_logical3A_821 = arith.shrui %squeeze3A_807, %shift_right_logical3A_820 : i32
        %get3A_822 = arith.index_cast %shift_right_logical3A_821 : i32 to index
        %get3A_823 = tpu.vector_load %arg5[%get3A_822] {strides = array<i32>} : memref<65536xf32, #tpu.memory_space<vmem>>, vector<16xf32>,
        %mul3A_824 = arith.mulf %get3A_811, %get3A_815 : vector<16xf32>
        %mul3A_825 = arith.mulf %get3A_819, %get3A_823 : vector<16xf32>
        %mul3A_826 = arith.mulf %mul3A_824, %mul3A_825 : vector<16xf32>
        %swap3A_827 = arith.constant 26 : i32
        %swap3A_828 = arith.index_cast %swap3A_827 : i32 to index
        %swap3A_829 = arith.constant 0 : index
        %swap3A_830 = tpu.vector_load %arg7[%swap3A_828, %swap3A_829] {strides = array<i32>} : memref<32x16xf32, #tpu.memory_space<vmem>>, vector<16xf32>,
        tpu.vector_store %arg7[%swap3A_828, %swap3A_829], %mul3A_826 {strides = array<i32>} : memref<32x16xf32, #tpu.memory_space<vmem>>, vector<16xf32>,
        %max3A_831 = arith.maximumf %max3A_803, %mul3A_826 : vector<16xf32>
        %slice3A_832 = vector.extract_strided_slice %get3A_82 {offsets = [6], sizes = [1], strides = [1]} : vector<16xi32> to vector<1xi32>
        %squeeze3A_833 = vector.extract %slice3A_832[0] : i32 from vector<1xi32>
        %slice3A_834 = vector.extract_strided_slice %get3A_82 {offsets = [7], sizes = [1], strides = [1]} : vector<16xi32> to vector<1xi32>
        %squeeze3A_835 = vector.extract %slice3A_834[0] : i32 from vector<1xi32>
        %and3A_836 = arith.constant 65535 : i32
        %and3A_837 = arith.andi %squeeze3A_833, %and3A_836 : i32
        %get3A_838 = arith.index_cast %and3A_837 : i32 to index
        %get3A_839 = tpu.vector_load %arg5[%get3A_838] {strides = array<i32>} : memref<65536xf32, #tpu.memory_space<vmem>>, vector<16xf32>,
        %shift_right_logical3A_840 = arith.constant 16 : i32
        %shift_right_logical3A_841 = arith.shrui %squeeze3A_833, %shift_right_logical3A_840 : i32
        %get3A_842 = arith.index_cast %shift_right_logical3A_841 : i32 to index
        %get3A_843 = tpu.vector_load %arg5[%get3A_842] {strides = array<i32>} : memref<65536xf32, #tpu.memory_space<vmem>>, vector<16xf32>,
        %and3A_844 = arith.constant 65535 : i32
        %and3A_845 = arith.andi %squeeze3A_835, %and3A_844 : i32
        %get3A_846 = arith.index_cast %and3A_845 : i32 to index
        %get3A_847 = tpu.vector_load %arg5[%get3A_846] {strides = array<i32>} : memref<65536xf32, #tpu.memory_space<vmem>>, vector<16xf32>,
        %shift_right_logical3A_848 = arith.constant 16 : i32
        %shift_right_logical3A_849 = arith.shrui %squeeze3A_835, %shift_right_logical3A_848 : i32
        %get3A_850 = arith.index_cast %shift_right_logical3A_849 : i32 to index
        %get3A_851 = tpu.vector_load %arg5[%get3A_850] {strides = array<i32>} : memref<65536xf32, #tpu.memory_space<vmem>>, vector<16xf32>,
        %mul3A_852 = arith.mulf %get3A_839, %get3A_843 : vector<16xf32>
        %mul3A_853 = arith.mulf %get3A_847, %get3A_851 : vector<16xf32>
        %mul3A_854 = arith.mulf %mul3A_852, %mul3A_853 : vector<16xf32>
        %swap3A_855 = arith.constant 27 : i32
        %swap3A_856 = arith.index_cast %swap3A_855 : i32 to index
        %swap3A_857 = arith.constant 0 : index
        %swap3A_858 = tpu.vector_load %arg7[%swap3A_856, %swap3A_857] {strides = array<i32>} : memref<32x16xf32, #tpu.memory_space<vmem>>, vector<16xf32>,
        tpu.vector_store %arg7[%swap3A_856, %swap3A_857], %mul3A_854 {strides = array<i32>} : memref<32x16xf32, #tpu.memory_space<vmem>>, vector<16xf32>,
        %max3A_859 = arith.maximumf %max3A_831, %mul3A_854 : vector<16xf32>
        %slice3A_860 = vector.extract_strided_slice %get3A_82 {offsets = [8], sizes = [1], strides = [1]} : vector<16xi32> to vector<1xi32>
        %squeeze3A_861 = vector.extract %slice3A_860[0] : i32 from vector<1xi32>
        %slice3A_862 = vector.extract_strided_slice %get3A_82 {offsets = [9], sizes = [1], strides = [1]} : vector<16xi32> to vector<1xi32>
        %squeeze3A_863 = vector.extract %slice3A_862[0] : i32 from vector<1xi32>
        %and3A_864 = arith.constant 65535 : i32
        %and3A_865 = arith.andi %squeeze3A_861, %and3A_864 : i32
        %get3A_866 = arith.index_cast %and3A_865 : i32 to index
        %get3A_867 = tpu.vector_load %arg5[%get3A_866] {strides = array<i32>} : memref<65536xf32, #tpu.memory_space<vmem>>, vector<16xf32>,
        %shift_right_logical3A_868 = arith.constant 16 : i32
        %shift_right_logical3A_869 = arith.shrui %squeeze3A_861, %shift_right_logical3A_868 : i32
        %get3A_870 = arith.index_cast %shift_right_logical3A_869 : i32 to index
        %get3A_871 = tpu.vector_load %arg5[%get3A_870] {strides = array<i32>} : memref<65536xf32, #tpu.memory_space<vmem>>, vector<16xf32>,
        %and3A_872 = arith.constant 65535 : i32
        %and3A_873 = arith.andi %squeeze3A_863, %and3A_872 : i32
        %get3A_874 = arith.index_cast %and3A_873 : i32 to index
        %get3A_875 = tpu.vector_load %arg5[%get3A_874] {strides = array<i32>} : memref<65536xf32, #tpu.memory_space<vmem>>, vector<16xf32>,
        %shift_right_logical3A_876 = arith.constant 16 : i32
        %shift_right_logical3A_877 = arith.shrui %squeeze3A_863, %shift_right_logical3A_876 : i32
        %get3A_878 = arith.index_cast %shift_right_logical3A_877 : i32 to index
        %get3A_879 = tpu.vector_load %arg5[%get3A_878] {strides = array<i32>} : memref<65536xf32, #tpu.memory_space<vmem>>, vector<16xf32>,
        %mul3A_880 = arith.mulf %get3A_867, %get3A_871 : vector<16xf32>
        %mul3A_881 = arith.mulf %get3A_875, %get3A_879 : vector<16xf32>
        %mul3A_882 = arith.mulf %mul3A_880, %mul3A_881 : vector<16xf32>
        %swap3A_883 = arith.constant 28 : i32
        %swap3A_884 = arith.index_cast %swap3A_883 : i32 to index
        %swap3A_885 = arith.constant 0 : index
        %swap3A_886 = tpu.vector_load %arg7[%swap3A_884, %swap3A_885] {strides = array<i32>} : memref<32x16xf32, #tpu.memory_space<vmem>>, vector<16xf32>,
        tpu.vector_store %arg7[%swap3A_884, %swap3A_885], %mul3A_882 {strides = array<i32>} : memref<32x16xf32, #tpu.memory_space<vmem>>, vector<16xf32>,
        %max3A_887 = arith.maximumf %max3A_859, %mul3A_882 : vector<16xf32>
        %slice3A_888 = vector.extract_strided_slice %get3A_82 {offsets = [10], sizes = [1], strides = [1]} : vector<16xi32> to vector<1xi32>
        %squeeze3A_889 = vector.extract %slice3A_888[0] : i32 from vector<1xi32>
        %slice3A_890 = vector.extract_strided_slice %get3A_82 {offsets = [11], sizes = [1], strides = [1]} : vector<16xi32> to vector<1xi32>
        %squeeze3A_891 = vector.extract %slice3A_890[0] : i32 from vector<1xi32>
        %and3A_892 = arith.constant 65535 : i32
        %and3A_893 = arith.andi %squeeze3A_889, %and3A_892 : i32
        %get3A_894 = arith.index_cast %and3A_893 : i32 to index
        %get3A_895 = tpu.vector_load %arg5[%get3A_894] {strides = array<i32>} : memref<65536xf32, #tpu.memory_space<vmem>>, vector<16xf32>,
        %shift_right_logical3A_896 = arith.constant 16 : i32
        %shift_right_logical3A_897 = arith.shrui %squeeze3A_889, %shift_right_logical3A_896 : i32
        %get3A_898 = arith.index_cast %shift_right_logical3A_897 : i32 to index
        %get3A_899 = tpu.vector_load %arg5[%get3A_898] {strides = array<i32>} : memref<65536xf32, #tpu.memory_space<vmem>>, vector<16xf32>,
        %and3A_900 = arith.constant 65535 : i32
        %and3A_901 = arith.andi %squeeze3A_891, %and3A_900 : i32
        %get3A_902 = arith.index_cast %and3A_901 : i32 to index
        %get3A_903 = tpu.vector_load %arg5[%get3A_902] {strides = array<i32>} : memref<65536xf32, #tpu.memory_space<vmem>>, vector<16xf32>,
        %shift_right_logical3A_904 = arith.constant 16 : i32
        %shift_right_logical3A_905 = arith.shrui %squeeze3A_891, %shift_right_logical3A_904 : i32
        %get3A_906 = arith.index_cast %shift_right_logical3A_905 : i32 to index
        %get3A_907 = tpu.vector_load %arg5[%get3A_906] {strides = array<i32>} : memref<65536xf32, #tpu.memory_space<vmem>>, vector<16xf32>,
        %mul3A_908 = arith.mulf %get3A_895, %get3A_899 : vector<16xf32>
        %mul3A_909 = arith.mulf %get3A_903, %get3A_907 : vector<16xf32>
        %mul3A_910 = arith.mulf %mul3A_908, %mul3A_909 : vector<16xf32>
        %swap3A_911 = arith.constant 29 : i32
        %swap3A_912 = arith.index_cast %swap3A_911 : i32 to index
        %swap3A_913 = arith.constant 0 : index
        %swap3A_914 = tpu.vector_load %arg7[%swap3A_912, %swap3A_913] {strides = array<i32>} : memref<32x16xf32, #tpu.memory_space<vmem>>, vector<16xf32>,
        tpu.vector_store %arg7[%swap3A_912, %swap3A_913], %mul3A_910 {strides = array<i32>} : memref<32x16xf32, #tpu.memory_space<vmem>>, vector<16xf32>,
        %max3A_915 = arith.maximumf %max3A_887, %mul3A_910 : vector<16xf32>
        %slice3A_916 = vector.extract_strided_slice %get3A_82 {offsets = [12], sizes = [1], strides = [1]} : vector<16xi32> to vector<1xi32>
        %squeeze3A_917 = vector.extract %slice3A_916[0] : i32 from vector<1xi32>
        %slice3A_918 = vector.extract_strided_slice %get3A_82 {offsets = [13], sizes = [1], strides = [1]} : vector<16xi32> to vector<1xi32>
        %squeeze3A_919 = vector.extract %slice3A_918[0] : i32 from vector<1xi32>
        %and3A_920 = arith.constant 65535 : i32
        %and3A_921 = arith.andi %squeeze3A_917, %and3A_920 : i32
        %get3A_922 = arith.index_cast %and3A_921 : i32 to index
        %get3A_923 = tpu.vector_load %arg5[%get3A_922] {strides = array<i32>} : memref<65536xf32, #tpu.memory_space<vmem>>, vector<16xf32>,
        %shift_right_logical3A_924 = arith.constant 16 : i32
        %shift_right_logical3A_925 = arith.shrui %squeeze3A_917, %shift_right_logical3A_924 : i32
        %get3A_926 = arith.index_cast %shift_right_logical3A_925 : i32 to index
        %get3A_927 = tpu.vector_load %arg5[%get3A_926] {strides = array<i32>} : memref<65536xf32, #tpu.memory_space<vmem>>, vector<16xf32>,
        %and3A_928 = arith.constant 65535 : i32
        %and3A_929 = arith.andi %squeeze3A_919, %and3A_928 : i32
        %get3A_930 = arith.index_cast %and3A_929 : i32 to index
        %get3A_931 = tpu.vector_load %arg5[%get3A_930] {strides = array<i32>} : memref<65536xf32, #tpu.memory_space<vmem>>, vector<16xf32>,
        %shift_right_logical3A_932 = arith.constant 16 : i32
        %shift_right_logical3A_933 = arith.shrui %squeeze3A_919, %shift_right_logical3A_932 : i32
        %get3A_934 = arith.index_cast %shift_right_logical3A_933 : i32 to index
        %get3A_935 = tpu.vector_load %arg5[%get3A_934] {strides = array<i32>} : memref<65536xf32, #tpu.memory_space<vmem>>, vector<16xf32>,
        %mul3A_936 = arith.mulf %get3A_923, %get3A_927 : vector<16xf32>
        %mul3A_937 = arith.mulf %get3A_931, %get3A_935 : vector<16xf32>
        %mul3A_938 = arith.mulf %mul3A_936, %mul3A_937 : vector<16xf32>
        %swap3A_939 = arith.constant 30 : i32
        %swap3A_940 = arith.index_cast %swap3A_939 : i32 to index
        %swap3A_941 = arith.constant 0 : index
        %swap3A_942 = tpu.vector_load %arg7[%swap3A_940, %swap3A_941] {strides = array<i32>} : memref<32x16xf32, #tpu.memory_space<vmem>>, vector<16xf32>,
        tpu.vector_store %arg7[%swap3A_940, %swap3A_941], %mul3A_938 {strides = array<i32>} : memref<32x16xf32, #tpu.memory_space<vmem>>, vector<16xf32>,
        %max3A_943 = arith.maximumf %max3A_915, %mul3A_938 : vector<16xf32>
        %slice3A_944 = vector.extract_strided_slice %get3A_82 {offsets = [14], sizes = [1], strides = [1]} : vector<16xi32> to vector<1xi32>
        %squeeze3A_945 = vector.extract %slice3A_944[0] : i32 from vector<1xi32>
        %slice3A_946 = vector.extract_strided_slice %get3A_82 {offsets = [15], sizes = [1], strides = [1]} : vector<16xi32> to vector<1xi32>
        %squeeze3A_947 = vector.extract %slice3A_946[0] : i32 from vector<1xi32>
        %and3A_948 = arith.constant 65535 : i32
        %and3A_949 = arith.andi %squeeze3A_945, %and3A_948 : i32
        %get3A_950 = arith.index_cast %and3A_949 : i32 to index
        %get3A_951 = tpu.vector_load %arg5[%get3A_950] {strides = array<i32>} : memref<65536xf32, #tpu.memory_space<vmem>>, vector<16xf32>,
        %shift_right_logical3A_952 = arith.constant 16 : i32
        %shift_right_logical3A_953 = arith.shrui %squeeze3A_945, %shift_right_logical3A_952 : i32
        %get3A_954 = arith.index_cast %shift_right_logical3A_953 : i32 to index
        %get3A_955 = tpu.vector_load %arg5[%get3A_954] {strides = array<i32>} : memref<65536xf32, #tpu.memory_space<vmem>>, vector<16xf32>,
        %and3A_956 = arith.constant 65535 : i32
        %and3A_957 = arith.andi %squeeze3A_947, %and3A_956 : i32
        %get3A_958 = arith.index_cast %and3A_957 : i32 to index
        %get3A_959 = tpu.vector_load %arg5[%get3A_958] {strides = array<i32>} : memref<65536xf32, #tpu.memory_space<vmem>>, vector<16xf32>,
        %shift_right_logical3A_960 = arith.constant 16 : i32
        %shift_right_logical3A_961 = arith.shrui %squeeze3A_947, %shift_right_logical3A_960 : i32
        %get3A_962 = arith.index_cast %shift_right_logical3A_961 : i32 to index
        %get3A_963 = tpu.vector_load %arg5[%get3A_962] {strides = array<i32>} : memref<65536xf32, #tpu.memory_space<vmem>>, vector<16xf32>,
        %mul3A_964 = arith.mulf %get3A_951, %get3A_955 : vector<16xf32>
        %mul3A_965 = arith.mulf %get3A_959, %get3A_963 : vector<16xf32>
        %mul3A_966 = arith.mulf %mul3A_964, %mul3A_965 : vector<16xf32>
        %swap3A_967 = arith.constant 31 : i32
        %swap3A_968 = arith.index_cast %swap3A_967 : i32 to index
        %swap3A_969 = arith.constant 0 : index
        %swap3A_970 = tpu.vector_load %arg7[%swap3A_968, %swap3A_969] {strides = array<i32>} : memref<32x16xf32, #tpu.memory_space<vmem>>, vector<16xf32>,
        tpu.vector_store %arg7[%swap3A_968, %swap3A_969], %mul3A_966 {strides = array<i32>} : memref<32x16xf32, #tpu.memory_space<vmem>>, vector<16xf32>,
        %max3A_971 = arith.maximumf %max3A_943, %mul3A_966 : vector<16xf32>
        %get3A_972 = arith.constant 0 : i32
        %get3A_973 = arith.index_cast %get3A_972 : i32 to index
        %get3A_974 = arith.constant 0 : index
        %get3A_975 = tpu.vector_load %arg7[%get3A_973, %get3A_974] {strides = array<i32>} : memref<32x16xf32, #tpu.memory_space<vmem>>, vector<16xf32>,
        %sub3A = arith.subf %get3A_975, %max3A_971 : vector<16xf32>
        %mul3A_976 = arith.constant 1.000000e+02 : f32
        %mul3A_977 = vector.broadcast %mul3A_976 : f32 to vector<16xf32>
        %mul3A_978 = arith.mulf %sub3A, %mul3A_977 : vector<16xf32>
        %exp3A = math.exp %mul3A_978 : vector<16xf32>
        %get3A_979 = arith.constant 1 : i32
        %get3A_980 = arith.index_cast %get3A_979 : i32 to index
        %get3A_981 = arith.constant 0 : index
        %get3A_982 = tpu.vector_load %arg7[%get3A_980, %get3A_981] {strides = array<i32>} : memref<32x16xf32, #tpu.memory_space<vmem>>, vector<16xf32>,
        %sub3A_983 = arith.subf %get3A_982, %max3A_971 : vector<16xf32>
        %mul3A_984 = arith.constant 1.000000e+02 : f32
        %mul3A_985 = vector.broadcast %mul3A_984 : f32 to vector<16xf32>
        %mul3A_986 = arith.mulf %sub3A_983, %mul3A_985 : vector<16xf32>
        %exp3A_987 = math.exp %mul3A_986 : vector<16xf32>
        %add3A_988 = arith.addf %exp3A, %exp3A_987 : vector<16xf32>
        %get3A_989 = arith.constant 2 : i32
        %get3A_990 = arith.index_cast %get3A_989 : i32 to index
        %get3A_991 = arith.constant 0 : index
        %get3A_992 = tpu.vector_load %arg7[%get3A_990, %get3A_991] {strides = array<i32>} : memref<32x16xf32, #tpu.memory_space<vmem>>, vector<16xf32>,
        %sub3A_993 = arith.subf %get3A_992, %max3A_971 : vector<16xf32>
        %mul3A_994 = arith.constant 1.000000e+02 : f32
        %mul3A_995 = vector.broadcast %mul3A_994 : f32 to vector<16xf32>
        %mul3A_996 = arith.mulf %sub3A_993, %mul3A_995 : vector<16xf32>
        %exp3A_997 = math.exp %mul3A_996 : vector<16xf32>
        %add3A_998 = arith.addf %add3A_988, %exp3A_997 : vector<16xf32>
        %get3A_999 = arith.constant 3 : i32
        %get3A_1000 = arith.index_cast %get3A_999 : i32 to index
        %get3A_1001 = arith.constant 0 : index
        %get3A_1002 = tpu.vector_load %arg7[%get3A_1000, %get3A_1001] {strides = array<i32>} : memref<32x16xf32, #tpu.memory_space<vmem>>, vector<16xf32>,
        %sub3A_1003 = arith.subf %get3A_1002, %max3A_971 : vector<16xf32>
        %mul3A_1004 = arith.constant 1.000000e+02 : f32
        %mul3A_1005 = vector.broadcast %mul3A_1004 : f32 to vector<16xf32>
        %mul3A_1006 = arith.mulf %sub3A_1003, %mul3A_1005 : vector<16xf32>
        %exp3A_1007 = math.exp %mul3A_1006 : vector<16xf32>
        %add3A_1008 = arith.addf %add3A_998, %exp3A_1007 : vector<16xf32>
        %get3A_1009 = arith.constant 4 : i32
        %get3A_1010 = arith.index_cast %get3A_1009 : i32 to index
        %get3A_1011 = arith.constant 0 : index
        %get3A_1012 = tpu.vector_load %arg7[%get3A_1010, %get3A_1011] {strides = array<i32>} : memref<32x16xf32, #tpu.memory_space<vmem>>, vector<16xf32>,
        %sub3A_1013 = arith.subf %get3A_1012, %max3A_971 : vector<16xf32>
        %mul3A_1014 = arith.constant 1.000000e+02 : f32
        %mul3A_1015 = vector.broadcast %mul3A_1014 : f32 to vector<16xf32>
        %mul3A_1016 = arith.mulf %sub3A_1013, %mul3A_1015 : vector<16xf32>
        %exp3A_1017 = math.exp %mul3A_1016 : vector<16xf32>
        %add3A_1018 = arith.addf %add3A_1008, %exp3A_1017 : vector<16xf32>
        %get3A_1019 = arith.constant 5 : i32
        %get3A_1020 = arith.index_cast %get3A_1019 : i32 to index
        %get3A_1021 = arith.constant 0 : index
        %get3A_1022 = tpu.vector_load %arg7[%get3A_1020, %get3A_1021] {strides = array<i32>} : memref<32x16xf32, #tpu.memory_space<vmem>>, vector<16xf32>,
        %sub3A_1023 = arith.subf %get3A_1022, %max3A_971 : vector<16xf32>
        %mul3A_1024 = arith.constant 1.000000e+02 : f32
        %mul3A_1025 = vector.broadcast %mul3A_1024 : f32 to vector<16xf32>
        %mul3A_1026 = arith.mulf %sub3A_1023, %mul3A_1025 : vector<16xf32>
        %exp3A_1027 = math.exp %mul3A_1026 : vector<16xf32>
        %add3A_1028 = arith.addf %add3A_1018, %exp3A_1027 : vector<16xf32>
        %get3A_1029 = arith.constant 6 : i32
        %get3A_1030 = arith.index_cast %get3A_1029 : i32 to index
        %get3A_1031 = arith.constant 0 : index
        %get3A_1032 = tpu.vector_load %arg7[%get3A_1030, %get3A_1031] {strides = array<i32>} : memref<32x16xf32, #tpu.memory_space<vmem>>, vector<16xf32>,
        %sub3A_1033 = arith.subf %get3A_1032, %max3A_971 : vector<16xf32>
        %mul3A_1034 = arith.constant 1.000000e+02 : f32
        %mul3A_1035 = vector.broadcast %mul3A_1034 : f32 to vector<16xf32>
        %mul3A_1036 = arith.mulf %sub3A_1033, %mul3A_1035 : vector<16xf32>
        %exp3A_1037 = math.exp %mul3A_1036 : vector<16xf32>
        %add3A_1038 = arith.addf %add3A_1028, %exp3A_1037 : vector<16xf32>
        %get3A_1039 = arith.constant 7 : i32
        %get3A_1040 = arith.index_cast %get3A_1039 : i32 to index
        %get3A_1041 = arith.constant 0 : index
        %get3A_1042 = tpu.vector_load %arg7[%get3A_1040, %get3A_1041] {strides = array<i32>} : memref<32x16xf32, #tpu.memory_space<vmem>>, vector<16xf32>,
        %sub3A_1043 = arith.subf %get3A_1042, %max3A_971 : vector<16xf32>
        %mul3A_1044 = arith.constant 1.000000e+02 : f32
        %mul3A_1045 = vector.broadcast %mul3A_1044 : f32 to vector<16xf32>
        %mul3A_1046 = arith.mulf %sub3A_1043, %mul3A_1045 : vector<16xf32>
        %exp3A_1047 = math.exp %mul3A_1046 : vector<16xf32>
        %add3A_1048 = arith.addf %add3A_1038, %exp3A_1047 : vector<16xf32>
        %get3A_1049 = arith.constant 8 : i32
        %get3A_1050 = arith.index_cast %get3A_1049 : i32 to index
        %get3A_1051 = arith.constant 0 : index
        %get3A_1052 = tpu.vector_load %arg7[%get3A_1050, %get3A_1051] {strides = array<i32>} : memref<32x16xf32, #tpu.memory_space<vmem>>, vector<16xf32>,
        %sub3A_1053 = arith.subf %get3A_1052, %max3A_971 : vector<16xf32>
        %mul3A_1054 = arith.constant 1.000000e+02 : f32
        %mul3A_1055 = vector.broadcast %mul3A_1054 : f32 to vector<16xf32>
        %mul3A_1056 = arith.mulf %sub3A_1053, %mul3A_1055 : vector<16xf32>
        %exp3A_1057 = math.exp %mul3A_1056 : vector<16xf32>
        %add3A_1058 = arith.addf %add3A_1048, %exp3A_1057 : vector<16xf32>
        %get3A_1059 = arith.constant 9 : i32
        %get3A_1060 = arith.index_cast %get3A_1059 : i32 to index
        %get3A_1061 = arith.constant 0 : index
        %get3A_1062 = tpu.vector_load %arg7[%get3A_1060, %get3A_1061] {strides = array<i32>} : memref<32x16xf32, #tpu.memory_space<vmem>>, vector<16xf32>,
        %sub3A_1063 = arith.subf %get3A_1062, %max3A_971 : vector<16xf32>
        %mul3A_1064 = arith.constant 1.000000e+02 : f32
        %mul3A_1065 = vector.broadcast %mul3A_1064 : f32 to vector<16xf32>
        %mul3A_1066 = arith.mulf %sub3A_1063, %mul3A_1065 : vector<16xf32>
        %exp3A_1067 = math.exp %mul3A_1066 : vector<16xf32>
        %add3A_1068 = arith.addf %add3A_1058, %exp3A_1067 : vector<16xf32>
        %get3A_1069 = arith.constant 10 : i32
        %get3A_1070 = arith.index_cast %get3A_1069 : i32 to index
        %get3A_1071 = arith.constant 0 : index
        %get3A_1072 = tpu.vector_load %arg7[%get3A_1070, %get3A_1071] {strides = array<i32>} : memref<32x16xf32, #tpu.memory_space<vmem>>, vector<16xf32>,
        %sub3A_1073 = arith.subf %get3A_1072, %max3A_971 : vector<16xf32>
        %mul3A_1074 = arith.constant 1.000000e+02 : f32
        %mul3A_1075 = vector.broadcast %mul3A_1074 : f32 to vector<16xf32>
        %mul3A_1076 = arith.mulf %sub3A_1073, %mul3A_1075 : vector<16xf32>
        %exp3A_1077 = math.exp %mul3A_1076 : vector<16xf32>
        %add3A_1078 = arith.addf %add3A_1068, %exp3A_1077 : vector<16xf32>
        %get3A_1079 = arith.constant 11 : i32
        %get3A_1080 = arith.index_cast %get3A_1079 : i32 to index
        %get3A_1081 = arith.constant 0 : index
        %get3A_1082 = tpu.vector_load %arg7[%get3A_1080, %get3A_1081] {strides = array<i32>} : memref<32x16xf32, #tpu.memory_space<vmem>>, vector<16xf32>,
        %sub3A_1083 = arith.subf %get3A_1082, %max3A_971 : vector<16xf32>
        %mul3A_1084 = arith.constant 1.000000e+02 : f32
        %mul3A_1085 = vector.broadcast %mul3A_1084 : f32 to vector<16xf32>
        %mul3A_1086 = arith.mulf %sub3A_1083, %mul3A_1085 : vector<16xf32>
        %exp3A_1087 = math.exp %mul3A_1086 : vector<16xf32>
        %add3A_1088 = arith.addf %add3A_1078, %exp3A_1087 : vector<16xf32>
        %get3A_1089 = arith.constant 12 : i32
        %get3A_1090 = arith.index_cast %get3A_1089 : i32 to index
        %get3A_1091 = arith.constant 0 : index
        %get3A_1092 = tpu.vector_load %arg7[%get3A_1090, %get3A_1091] {strides = array<i32>} : memref<32x16xf32, #tpu.memory_space<vmem>>, vector<16xf32>,
        %sub3A_1093 = arith.subf %get3A_1092, %max3A_971 : vector<16xf32>
        %mul3A_1094 = arith.constant 1.000000e+02 : f32
        %mul3A_1095 = vector.broadcast %mul3A_1094 : f32 to vector<16xf32>
        %mul3A_1096 = arith.mulf %sub3A_1093, %mul3A_1095 : vector<16xf32>
        %exp3A_1097 = math.exp %mul3A_1096 : vector<16xf32>
        %add3A_1098 = arith.addf %add3A_1088, %exp3A_1097 : vector<16xf32>
        %get3A_1099 = arith.constant 13 : i32
        %get3A_1100 = arith.index_cast %get3A_1099 : i32 to index
        %get3A_1101 = arith.constant 0 : index
        %get3A_1102 = tpu.vector_load %arg7[%get3A_1100, %get3A_1101] {strides = array<i32>} : memref<32x16xf32, #tpu.memory_space<vmem>>, vector<16xf32>,
        %sub3A_1103 = arith.subf %get3A_1102, %max3A_971 : vector<16xf32>
        %mul3A_1104 = arith.constant 1.000000e+02 : f32
        %mul3A_1105 = vector.broadcast %mul3A_1104 : f32 to vector<16xf32>
        %mul3A_1106 = arith.mulf %sub3A_1103, %mul3A_1105 : vector<16xf32>
        %exp3A_1107 = math.exp %mul3A_1106 : vector<16xf32>
        %add3A_1108 = arith.addf %add3A_1098, %exp3A_1107 : vector<16xf32>
        %get3A_1109 = arith.constant 14 : i32
        %get3A_1110 = arith.index_cast %get3A_1109 : i32 to index
        %get3A_1111 = arith.constant 0 : index
        %get3A_1112 = tpu.vector_load %arg7[%get3A_1110, %get3A_1111] {strides = array<i32>} : memref<32x16xf32, #tpu.memory_space<vmem>>, vector<16xf32>,
        %sub3A_1113 = arith.subf %get3A_1112, %max3A_971 : vector<16xf32>
        %mul3A_1114 = arith.constant 1.000000e+02 : f32
        %mul3A_1115 = vector.broadcast %mul3A_1114 : f32 to vector<16xf32>
        %mul3A_1116 = arith.mulf %sub3A_1113, %mul3A_1115 : vector<16xf32>
        %exp3A_1117 = math.exp %mul3A_1116 : vector<16xf32>
        %add3A_1118 = arith.addf %add3A_1108, %exp3A_1117 : vector<16xf32>
        %get3A_1119 = arith.constant 15 : i32
        %get3A_1120 = arith.index_cast %get3A_1119 : i32 to index
        %get3A_1121 = arith.constant 0 : index
        %get3A_1122 = tpu.vector_load %arg7[%get3A_1120, %get3A_1121] {strides = array<i32>} : memref<32x16xf32, #tpu.memory_space<vmem>>, vector<16xf32>,
        %sub3A_1123 = arith.subf %get3A_1122, %max3A_971 : vector<16xf32>
        %mul3A_1124 = arith.constant 1.000000e+02 : f32
        %mul3A_1125 = vector.broadcast %mul3A_1124 : f32 to vector<16xf32>
        %mul3A_1126 = arith.mulf %sub3A_1123, %mul3A_1125 : vector<16xf32>
        %exp3A_1127 = math.exp %mul3A_1126 : vector<16xf32>
        %add3A_1128 = arith.addf %add3A_1118, %exp3A_1127 : vector<16xf32>
        %get3A_1129 = arith.constant 16 : i32
        %get3A_1130 = arith.index_cast %get3A_1129 : i32 to index
        %get3A_1131 = arith.constant 0 : index
        %get3A_1132 = tpu.vector_load %arg7[%get3A_1130, %get3A_1131] {strides = array<i32>} : memref<32x16xf32, #tpu.memory_space<vmem>>, vector<16xf32>,
        %sub3A_1133 = arith.subf %get3A_1132, %max3A_971 : vector<16xf32>
        %mul3A_1134 = arith.constant 1.000000e+02 : f32
        %mul3A_1135 = vector.broadcast %mul3A_1134 : f32 to vector<16xf32>
        %mul3A_1136 = arith.mulf %sub3A_1133, %mul3A_1135 : vector<16xf32>
        %exp3A_1137 = math.exp %mul3A_1136 : vector<16xf32>
        %add3A_1138 = arith.addf %add3A_1128, %exp3A_1137 : vector<16xf32>
        %get3A_1139 = arith.constant 17 : i32
        %get3A_1140 = arith.index_cast %get3A_1139 : i32 to index
        %get3A_1141 = arith.constant 0 : index
        %get3A_1142 = tpu.vector_load %arg7[%get3A_1140, %get3A_1141] {strides = array<i32>} : memref<32x16xf32, #tpu.memory_space<vmem>>, vector<16xf32>,
        %sub3A_1143 = arith.subf %get3A_1142, %max3A_971 : vector<16xf32>
        %mul3A_1144 = arith.constant 1.000000e+02 : f32
        %mul3A_1145 = vector.broadcast %mul3A_1144 : f32 to vector<16xf32>
        %mul3A_1146 = arith.mulf %sub3A_1143, %mul3A_1145 : vector<16xf32>
        %exp3A_1147 = math.exp %mul3A_1146 : vector<16xf32>
        %add3A_1148 = arith.addf %add3A_1138, %exp3A_1147 : vector<16xf32>
        %get3A_1149 = arith.constant 18 : i32
        %get3A_1150 = arith.index_cast %get3A_1149 : i32 to index
        %get3A_1151 = arith.constant 0 : index
        %get3A_1152 = tpu.vector_load %arg7[%get3A_1150, %get3A_1151] {strides = array<i32>} : memref<32x16xf32, #tpu.memory_space<vmem>>, vector<16xf32>,
        %sub3A_1153 = arith.subf %get3A_1152, %max3A_971 : vector<16xf32>
        %mul3A_1154 = arith.constant 1.000000e+02 : f32
        %mul3A_1155 = vector.broadcast %mul3A_1154 : f32 to vector<16xf32>
        %mul3A_1156 = arith.mulf %sub3A_1153, %mul3A_1155 : vector<16xf32>
        %exp3A_1157 = math.exp %mul3A_1156 : vector<16xf32>
        %add3A_1158 = arith.addf %add3A_1148, %exp3A_1157 : vector<16xf32>
        %get3A_1159 = arith.constant 19 : i32
        %get3A_1160 = arith.index_cast %get3A_1159 : i32 to index
        %get3A_1161 = arith.constant 0 : index
        %get3A_1162 = tpu.vector_load %arg7[%get3A_1160, %get3A_1161] {strides = array<i32>} : memref<32x16xf32, #tpu.memory_space<vmem>>, vector<16xf32>,
        %sub3A_1163 = arith.subf %get3A_1162, %max3A_971 : vector<16xf32>
        %mul3A_1164 = arith.constant 1.000000e+02 : f32
        %mul3A_1165 = vector.broadcast %mul3A_1164 : f32 to vector<16xf32>
        %mul3A_1166 = arith.mulf %sub3A_1163, %mul3A_1165 : vector<16xf32>
        %exp3A_1167 = math.exp %mul3A_1166 : vector<16xf32>
        %add3A_1168 = arith.addf %add3A_1158, %exp3A_1167 : vector<16xf32>
        %get3A_1169 = arith.constant 20 : i32
        %get3A_1170 = arith.index_cast %get3A_1169 : i32 to index
        %get3A_1171 = arith.constant 0 : index
        %get3A_1172 = tpu.vector_load %arg7[%get3A_1170, %get3A_1171] {strides = array<i32>} : memref<32x16xf32, #tpu.memory_space<vmem>>, vector<16xf32>,
        %sub3A_1173 = arith.subf %get3A_1172, %max3A_971 : vector<16xf32>
        %mul3A_1174 = arith.constant 1.000000e+02 : f32
        %mul3A_1175 = vector.broadcast %mul3A_1174 : f32 to vector<16xf32>
        %mul3A_1176 = arith.mulf %sub3A_1173, %mul3A_1175 : vector<16xf32>
        %exp3A_1177 = math.exp %mul3A_1176 : vector<16xf32>
        %add3A_1178 = arith.addf %add3A_1168, %exp3A_1177 : vector<16xf32>
        %get3A_1179 = arith.constant 21 : i32
        %get3A_1180 = arith.index_cast %get3A_1179 : i32 to index
        %get3A_1181 = arith.constant 0 : index
        %get3A_1182 = tpu.vector_load %arg7[%get3A_1180, %get3A_1181] {strides = array<i32>} : memref<32x16xf32, #tpu.memory_space<vmem>>, vector<16xf32>,
        %sub3A_1183 = arith.subf %get3A_1182, %max3A_971 : vector<16xf32>
        %mul3A_1184 = arith.constant 1.000000e+02 : f32
        %mul3A_1185 = vector.broadcast %mul3A_1184 : f32 to vector<16xf32>
        %mul3A_1186 = arith.mulf %sub3A_1183, %mul3A_1185 : vector<16xf32>
        %exp3A_1187 = math.exp %mul3A_1186 : vector<16xf32>
        %add3A_1188 = arith.addf %add3A_1178, %exp3A_1187 : vector<16xf32>
        %get3A_1189 = arith.constant 22 : i32
        %get3A_1190 = arith.index_cast %get3A_1189 : i32 to index
        %get3A_1191 = arith.constant 0 : index
        %get3A_1192 = tpu.vector_load %arg7[%get3A_1190, %get3A_1191] {strides = array<i32>} : memref<32x16xf32, #tpu.memory_space<vmem>>, vector<16xf32>,
        %sub3A_1193 = arith.subf %get3A_1192, %max3A_971 : vector<16xf32>
        %mul3A_1194 = arith.constant 1.000000e+02 : f32
        %mul3A_1195 = vector.broadcast %mul3A_1194 : f32 to vector<16xf32>
        %mul3A_1196 = arith.mulf %sub3A_1193, %mul3A_1195 : vector<16xf32>
        %exp3A_1197 = math.exp %mul3A_1196 : vector<16xf32>
        %add3A_1198 = arith.addf %add3A_1188, %exp3A_1197 : vector<16xf32>
        %get3A_1199 = arith.constant 23 : i32
        %get3A_1200 = arith.index_cast %get3A_1199 : i32 to index
        %get3A_1201 = arith.constant 0 : index
        %get3A_1202 = tpu.vector_load %arg7[%get3A_1200, %get3A_1201] {strides = array<i32>} : memref<32x16xf32, #tpu.memory_space<vmem>>, vector<16xf32>,
        %sub3A_1203 = arith.subf %get3A_1202, %max3A_971 : vector<16xf32>
        %mul3A_1204 = arith.constant 1.000000e+02 : f32
        %mul3A_1205 = vector.broadcast %mul3A_1204 : f32 to vector<16xf32>
        %mul3A_1206 = arith.mulf %sub3A_1203, %mul3A_1205 : vector<16xf32>
        %exp3A_1207 = math.exp %mul3A_1206 : vector<16xf32>
        %add3A_1208 = arith.addf %add3A_1198, %exp3A_1207 : vector<16xf32>
        %get3A_1209 = arith.constant 24 : i32
        %get3A_1210 = arith.index_cast %get3A_1209 : i32 to index
        %get3A_1211 = arith.constant 0 : index
        %get3A_1212 = tpu.vector_load %arg7[%get3A_1210, %get3A_1211] {strides = array<i32>} : memref<32x16xf32, #tpu.memory_space<vmem>>, vector<16xf32>,
        %sub3A_1213 = arith.subf %get3A_1212, %max3A_971 : vector<16xf32>
        %mul3A_1214 = arith.constant 1.000000e+02 : f32
        %mul3A_1215 = vector.broadcast %mul3A_1214 : f32 to vector<16xf32>
        %mul3A_1216 = arith.mulf %sub3A_1213, %mul3A_1215 : vector<16xf32>
        %exp3A_1217 = math.exp %mul3A_1216 : vector<16xf32>
        %add3A_1218 = arith.addf %add3A_1208, %exp3A_1217 : vector<16xf32>
        %get3A_1219 = arith.constant 25 : i32
        %get3A_1220 = arith.index_cast %get3A_1219 : i32 to index
        %get3A_1221 = arith.constant 0 : index
        %get3A_1222 = tpu.vector_load %arg7[%get3A_1220, %get3A_1221] {strides = array<i32>} : memref<32x16xf32, #tpu.memory_space<vmem>>, vector<16xf32>,
        %sub3A_1223 = arith.subf %get3A_1222, %max3A_971 : vector<16xf32>
        %mul3A_1224 = arith.constant 1.000000e+02 : f32
        %mul3A_1225 = vector.broadcast %mul3A_1224 : f32 to vector<16xf32>
        %mul3A_1226 = arith.mulf %sub3A_1223, %mul3A_1225 : vector<16xf32>
        %exp3A_1227 = math.exp %mul3A_1226 : vector<16xf32>
        %add3A_1228 = arith.addf %add3A_1218, %exp3A_1227 : vector<16xf32>
        %get3A_1229 = arith.constant 26 : i32
        %get3A_1230 = arith.index_cast %get3A_1229 : i32 to index
        %get3A_1231 = arith.constant 0 : index
        %get3A_1232 = tpu.vector_load %arg7[%get3A_1230, %get3A_1231] {strides = array<i32>} : memref<32x16xf32, #tpu.memory_space<vmem>>, vector<16xf32>,
        %sub3A_1233 = arith.subf %get3A_1232, %max3A_971 : vector<16xf32>
        %mul3A_1234 = arith.constant 1.000000e+02 : f32
        %mul3A_1235 = vector.broadcast %mul3A_1234 : f32 to vector<16xf32>
        %mul3A_1236 = arith.mulf %sub3A_1233, %mul3A_1235 : vector<16xf32>
        %exp3A_1237 = math.exp %mul3A_1236 : vector<16xf32>
        %add3A_1238 = arith.addf %add3A_1228, %exp3A_1237 : vector<16xf32>
        %get3A_1239 = arith.constant 27 : i32
        %get3A_1240 = arith.index_cast %get3A_1239 : i32 to index
        %get3A_1241 = arith.constant 0 : index
        %get3A_1242 = tpu.vector_load %arg7[%get3A_1240, %get3A_1241] {strides = array<i32>} : memref<32x16xf32, #tpu.memory_space<vmem>>, vector<16xf32>,
        %sub3A_1243 = arith.subf %get3A_1242, %max3A_971 : vector<16xf32>
        %mul3A_1244 = arith.constant 1.000000e+02 : f32
        %mul3A_1245 = vector.broadcast %mul3A_1244 : f32 to vector<16xf32>
        %mul3A_1246 = arith.mulf %sub3A_1243, %mul3A_1245 : vector<16xf32>
        %exp3A_1247 = math.exp %mul3A_1246 : vector<16xf32>
        %add3A_1248 = arith.addf %add3A_1238, %exp3A_1247 : vector<16xf32>
        %get3A_1249 = arith.constant 28 : i32
        %get3A_1250 = arith.index_cast %get3A_1249 : i32 to index
        %get3A_1251 = arith.constant 0 : index
        %get3A_1252 = tpu.vector_load %arg7[%get3A_1250, %get3A_1251] {strides = array<i32>} : memref<32x16xf32, #tpu.memory_space<vmem>>, vector<16xf32>,
        %sub3A_1253 = arith.subf %get3A_1252, %max3A_971 : vector<16xf32>
        %mul3A_1254 = arith.constant 1.000000e+02 : f32
        %mul3A_1255 = vector.broadcast %mul3A_1254 : f32 to vector<16xf32>
        %mul3A_1256 = arith.mulf %sub3A_1253, %mul3A_1255 : vector<16xf32>
        %exp3A_1257 = math.exp %mul3A_1256 : vector<16xf32>
        %add3A_1258 = arith.addf %add3A_1248, %exp3A_1257 : vector<16xf32>
        %get3A_1259 = arith.constant 29 : i32
        %get3A_1260 = arith.index_cast %get3A_1259 : i32 to index
        %get3A_1261 = arith.constant 0 : index
        %get3A_1262 = tpu.vector_load %arg7[%get3A_1260, %get3A_1261] {strides = array<i32>} : memref<32x16xf32, #tpu.memory_space<vmem>>, vector<16xf32>,
        %sub3A_1263 = arith.subf %get3A_1262, %max3A_971 : vector<16xf32>
        %mul3A_1264 = arith.constant 1.000000e+02 : f32
        %mul3A_1265 = vector.broadcast %mul3A_1264 : f32 to vector<16xf32>
        %mul3A_1266 = arith.mulf %sub3A_1263, %mul3A_1265 : vector<16xf32>
        %exp3A_1267 = math.exp %mul3A_1266 : vector<16xf32>
        %add3A_1268 = arith.addf %add3A_1258, %exp3A_1267 : vector<16xf32>
        %get3A_1269 = arith.constant 30 : i32
        %get3A_1270 = arith.index_cast %get3A_1269 : i32 to index
        %get3A_1271 = arith.constant 0 : index
        %get3A_1272 = tpu.vector_load %arg7[%get3A_1270, %get3A_1271] {strides = array<i32>} : memref<32x16xf32, #tpu.memory_space<vmem>>, vector<16xf32>,
        %sub3A_1273 = arith.subf %get3A_1272, %max3A_971 : vector<16xf32>
        %mul3A_1274 = arith.constant 1.000000e+02 : f32
        %mul3A_1275 = vector.broadcast %mul3A_1274 : f32 to vector<16xf32>
        %mul3A_1276 = arith.mulf %sub3A_1273, %mul3A_1275 : vector<16xf32>
        %exp3A_1277 = math.exp %mul3A_1276 : vector<16xf32>
        %add3A_1278 = arith.addf %add3A_1268, %exp3A_1277 : vector<16xf32>
        %get3A_1279 = arith.constant 31 : i32
        %get3A_1280 = arith.index_cast %get3A_1279 : i32 to index
        %get3A_1281 = arith.constant 0 : index
        %get3A_1282 = tpu.vector_load %arg7[%get3A_1280, %get3A_1281] {strides = array<i32>} : memref<32x16xf32, #tpu.memory_space<vmem>>, vector<16xf32>,
        %sub3A_1283 = arith.subf %get3A_1282, %max3A_971 : vector<16xf32>
        %mul3A_1284 = arith.constant 1.000000e+02 : f32
        %mul3A_1285 = vector.broadcast %mul3A_1284 : f32 to vector<16xf32>
        %mul3A_1286 = arith.mulf %sub3A_1283, %mul3A_1285 : vector<16xf32>
        %exp3A_1287 = math.exp %mul3A_1286 : vector<16xf32>
        %add3A_1288 = arith.addf %add3A_1278, %exp3A_1287 : vector<16xf32>
        %bitcast_convert_type3A = tpu.bitcast %add3A_1288 : vector<16xf32> -> vector<16xi32>
        %shift_right_arithmetic3A = arith.constant 23 : i32
        %shift_right_arithmetic3A_1289 = vector.broadcast %shift_right_arithmetic3A : i32 to vector<16xi32>
        %shift_right_arithmetic3A_1290 = arith.shrsi %bitcast_convert_type3A, %shift_right_arithmetic3A_1289 : vector<16xi32>
        %and3A_1291 = arith.constant 255 : i32
        %and3A_1292 = vector.broadcast %and3A_1291 : i32 to vector<16xi32>
        %and3A_1293 = arith.andi %shift_right_arithmetic3A_1290, %and3A_1292 : vector<16xi32>
        %sub3A_1294 = arith.constant 127 : i32
        %sub3A_1295 = vector.broadcast %sub3A_1294 : i32 to vector<16xi32>
        %sub3A_1296 = arith.subi %and3A_1293, %sub3A_1295 : vector<16xi32>
        %and3A_1297 = arith.constant 8388607 : i32
        %and3A_1298 = vector.broadcast %and3A_1297 : i32 to vector<16xi32>
        %and3A_1299 = arith.andi %bitcast_convert_type3A, %and3A_1298 : vector<16xi32>
        %or3A = arith.constant 1065353216 : i32
        %or3A_1300 = vector.broadcast %or3A : i32 to vector<16xi32>
        %or3A_1301 = arith.ori %and3A_1299, %or3A_1300 : vector<16xi32>
        %bitcast_convert_type3A_1302 = tpu.bitcast %or3A_1301 : vector<16xi32> -> vector<16xf32>
        %sub3A_1303 = arith.constant 1.000000e+00 : f32
        %sub3A_1304 = vector.broadcast %sub3A_1303 : f32 to vector<16xf32>
        %sub3A_1305 = arith.subf %bitcast_convert_type3A_1302, %sub3A_1304 : vector<16xf32>
        %add3A_1306 = arith.constant 1.000000e+00 : f32
        %add3A_1307 = vector.broadcast %add3A_1306 : f32 to vector<16xf32>
        %add3A_1308 = arith.addf %bitcast_convert_type3A_1302, %add3A_1307 : vector<16xf32>
        %div3A_1309 = arith.divf %sub3A_1305, %add3A_1308 : vector<16xf32>
        %mul3A_1310 = arith.mulf %div3A_1309, %div3A_1309 : vector<16xf32>
        %mul3A_1311 = arith.constant 0.0909090936 : f32
        %mul3A_1312 = vector.broadcast %mul3A_1311 : f32 to vector<16xf32>
        %mul3A_1313 = arith.mulf %mul3A_1310, %mul3A_1312 : vector<16xf32>
        %add3A_1314 = arith.constant 0.111111112 : f32
        %add3A_1315 = vector.broadcast %add3A_1314 : f32 to vector<16xf32>
        %add3A_1316 = arith.addf %add3A_1315, %mul3A_1313 : vector<16xf32>
        %mul3A_1317 = arith.mulf %mul3A_1310, %add3A_1316 : vector<16xf32>
        %add3A_1318 = arith.constant 0.142857149 : f32
        %add3A_1319 = vector.broadcast %add3A_1318 : f32 to vector<16xf32>
        %add3A_1320 = arith.addf %add3A_1319, %mul3A_1317 : vector<16xf32>
        %mul3A_1321 = arith.mulf %mul3A_1310, %add3A_1320 : vector<16xf32>
        %add3A_1322 = arith.constant 2.000000e-01 : f32
        %add3A_1323 = vector.broadcast %add3A_1322 : f32 to vector<16xf32>
        %add3A_1324 = arith.addf %add3A_1323, %mul3A_1321 : vector<16xf32>
        %mul3A_1325 = arith.mulf %mul3A_1310, %add3A_1324 : vector<16xf32>
        %add3A_1326 = arith.constant 0.333333343 : f32
        %add3A_1327 = vector.broadcast %add3A_1326 : f32 to vector<16xf32>
        %add3A_1328 = arith.addf %add3A_1327, %mul3A_1325 : vector<16xf32>
        %mul3A_1329 = arith.mulf %mul3A_1310, %add3A_1328 : vector<16xf32>
        %add3A_1330 = arith.constant 1.000000e+00 : f32
        %add3A_1331 = vector.broadcast %add3A_1330 : f32 to vector<16xf32>
        %add3A_1332 = arith.addf %add3A_1331, %mul3A_1329 : vector<16xf32>
        %convert_element_type3A_1333 = arith.sitofp %sub3A_1296 : vector<16xi32> to vector<16xf32>
        %mul3A_1334 = arith.constant 0.693147182 : f32
        %mul3A_1335 = vector.broadcast %mul3A_1334 : f32 to vector<16xf32>
        %mul3A_1336 = arith.mulf %convert_element_type3A_1333, %mul3A_1335 : vector<16xf32>
        %mul3A_1337 = arith.constant 2.000000e+00 : f32
        %mul3A_1338 = vector.broadcast %mul3A_1337 : f32 to vector<16xf32>
        %mul3A_1339 = arith.mulf %mul3A_1338, %div3A_1309 : vector<16xf32>
        %mul3A_1340 = arith.mulf %mul3A_1339, %add3A_1332 : vector<16xf32>
        %add3A_1341 = arith.addf %mul3A_1336, %mul3A_1340 : vector<16xf32>
        %mul3A_1342 = arith.constant 0.00999999977 : f32
        %mul3A_1343 = vector.broadcast %mul3A_1342 : f32 to vector<16xf32>
        %mul3A_1344 = arith.mulf %mul3A_1343, %add3A_1341 : vector<16xf32>
        %add3A_1345 = arith.addf %max3A_971, %mul3A_1344 : vector<16xf32>
        %broadcast_in_dim3A = vector.broadcast %add3A_67 : i32 to vector<16xi32>
        tpu.vector_store_idx %arg8[%iota3A, %broadcast_in_dim3A], %add3A_1345 : memref<16x64xf32, #tpu.memory_space<vmem>>[vector<16xi32>, vector<16xi32>], vector<16xf32>,
      }
      %scan3A_59 = arith.constant 64 : i32
      %mul3A_60 = arith.constant 64 : i32
      %mul3A_61 = arith.muli %add3A_34, %mul3A_60 : i32
      %add3A_62 = arith.addi %mul3A_4, %mul3A_61 : i32
      "tpu.region"() ({
        %run_scoped3A = tpu.sem_alloc : memref<!tpu.dma_semaphore, #tpu.memory_space<semaphore_mem>>
        %dma_start3A_63 = tpu.memref_slice %arg4[%mul3A_6, %add3A_62] : memref<64x4096xf32, #tpu.memory_space<hbm>> -> memref<16x64xf32, #tpu.memory_space<hbm>>
        %dma_start3A_64 = tpu.memref_slice %arg4[%mul3A_6, %add3A_62] : memref<64x4096xf32, #tpu.memory_space<hbm>> -> memref<16x64xf32, #tpu.memory_space<hbm>>
        tpu.enqueue_dma source(%arg8 : memref<16x64xf32, #tpu.memory_space<vmem>>) target(%dma_start3A_64 : memref<16x64xf32, #tpu.memory_space<hbm>>) target_semaphore(%run_scoped3A : memref<!tpu.dma_semaphore, #tpu.memory_space<semaphore_mem>>)
        %dma_wait3A_65 = tpu.memref_slice %arg4[%mul3A_6, %add3A_62] : memref<64x4096xf32, #tpu.memory_space<hbm>> -> memref<16x64xf32, #tpu.memory_space<hbm>>
        %dma_wait3A_66 = tpu.memref_slice %arg4[%mul3A_6, %add3A_62] : memref<64x4096xf32, #tpu.memory_space<hbm>> -> memref<16x64xf32, #tpu.memory_space<hbm>>
        tpu.wait_dma2 semaphore(%run_scoped3A : memref<!tpu.dma_semaphore, #tpu.memory_space<semaphore_mem>>) src(%arg8 : memref<16x64xf32, #tpu.memory_space<vmem>>) dst(%dma_wait3A_66 : memref<16x64xf32, #tpu.memory_space<hbm>>)
        tpu.yield
      }) : () -> ()
    }
    %scan3A_29 = arith.constant 8 : i32
    return
  }
}

</mosaic_0001>

<sc_bundles>
// kernel: kernel.3.cloned.1.call-start
scs
__scs_entry_jumppad:
0x0: {  	(pc) =	sbr.rel $0x88, $3  }
0x1: {  	(tag) =	ssettag $0x0;
	lr =	simm.s32 $0x1  }
0x2: {  	[smem:$0x3F9F] =	sst lr;
	_ =	strace $0xD0000000  }
0x3: {  	_ = 	snop  }
0x4: {  	_ = 	snop  }
0x5: {  	_ = 	snop  }
0x6: {  	_ = 	snop  }
0x7: {  	_ = 	snop  }
__scs_overlays_trampoline_lowered:
0x8: {  	[smem:$0x3FAE] =	sst s0  }
0x9: {  	[smem:$0x3FAF] =	sst s1  }
0xa: {  	[smem:$0x3FB0] =	sst s2  }
0xb: {  	[smem:$0x3FB1] =	sst s3  }
0xc: {  	[smem:$0x3FB2] =	sst s4  }
0xd: {  	[smem:$0x3FB3] =	sst s5  }
0xe: {  	[smem:$0x3FB4] =	sst s6  }
0xf: {  	[smem:$0x3FB5] =	sst s7  }
0x10: {  	[smem:$0x3FB6] =	sst s8  }
0x11: {  	[smem:$0x3FB7] =	sst s9;
	s0 =	simm.s32 @!p0 $0x0  }
0x12: {  	s1 =	sld [smem:$0x3F9D];
	s0 =	simm.s32 @p0 $0x1  }
0x13: {  	[smem:$0x3FB8] =	sst s0;
	s0 =	simm.s32 @!p1 $0x0  }
0x14: {  	s2 =	sld [smem:$0x3F9C];
	s0 =	simm.s32 @p1 $0x1  }
0x15: {  	[smem:$0x3FB9] =	sst s0;
	s0 =	simm.s32 @!p2 $0x0  }
0x16: {  	s3 =	sld [smem:$0x3FDB];
	s0 =	simm.s32 @p2 $0x1  }
0x17: {  	s4 =	simm.s32 $0x1BF5;
	[smem:$0x3FBB] =	sst s0  }
0x18: {  	s0 =	sld [smem:$0x3F9E];
	_ =	swait.ge [sflag:s4], $0x0  }
0x19: {  	s7 =	sld [smem:$0x3F9F]  }
0x1a: {  	s8 =	sadd.s32 $0xFFFFE003, lr  }
0x1b: {  	s9 =	sadd.s32 $0xFFFFFEF7, lr;
	s5 =	simm.s32 $0xFFFFFFFF;
	p2 =	slt.u32 s8, $0xFFFFF086  }
0x1c: {  	p1 =	slt.u32 s9, $0xF7A;
	s5 =	simm.s32 @!p2 $0x0  }
0x1d: {  	s5 =	simm.s32 @p1 $0x1;
	p0 =	seq.s32 s7, s2  }
0x1e: {  	s7 =	smul.u32 @!p0 $0xF7A, s2;
	p2 =	seq.s32 @!p0 s5, $0x0  }
0x1f: {  	s9 =	smul.u32 $0xF7A, s1;
	s8 =	simm.s32 @!p0 $0x1BF5;
	p2 =	por !p2, p0  }
0x20: {  	[sflag:s8] =	ssyncset.s32 @!p0 $0xFFFFF086;
	s6 =	sadd.s32 @!p0 s3, s7;
	s7 =	simm.s32 @!p0 $0x108  }
0x21: {  	s3 =	sadd.s32 s3, s9;
	s6 =	sadd.s32 @!p0 $0x88, s6;
	s7 =	simm.s32 @p2 $0x1082  }
0x22: {  	[simem:s7], [sflag:s8] =	dma.local @!p0 [hbm:s6], $0xF7A  }
0x23: {  	s9 =	sor.u32 $0xD0000000, s2;
	s6 =	simm.s32 $0x108;
	_ =	swait.ge @!p0 [sflag:s8], $0x0  }
0x24: {  	s3 =	sadd.s32 $0x88, s3;
	s6 =	simm.s32 @!p1 $0x1082;
	[sflag:s4] =	ssyncset.s32 $0xFFFFF086  }
0x25: {  	[simem:s6], [sflag:s4] =	dma.local [hbm:s3], $0xF7A  }
0x26: {  	[smem:$0x3F9F] =	sst s1;
	(tag) =	ssettag s2;
	_ =	strace s9  }
0x27: {  	s1 =	sld [smem:$0x3FAF]  }
0x28: {  	s2 =	sld [smem:$0x3FB0]  }
0x29: {  	s4 =	sld [smem:$0x3FB2]  }
0x2a: {  	p0 =	seq.s32 s5, $0x0;
	s5 =	sld [smem:$0x3FB3]  }
0x2b: {  	s6 =	sld [smem:$0x3FB4]  }
0x2c: {  	s7 =	sld [smem:$0x3FB5]  }
0x2d: {  	s3 =	simm.s32 $0x108;
	s8 =	sld [smem:$0x3FB6]  }
0x2e: {  	s3 =	simm.s32 @!p0 $0x1082;
	s9 =	sld [smem:$0x3FB7]  }
0x2f: {  	lr =	sadd.s32 s0, s3;
	s0 =	sld [smem:$0x3FAE]  }
0x30: {  	s3 =	sld [smem:$0x3FB1]  }
0x31: {  	[smem:$0x3FBA] =	sst s10  }
0x32: {  	s10 =	sld [smem:$0x3FB8];
	_ =	sdelay $0x3  }
0x33: {  	p0 =	seq.s32 s10, $0x1;
	s10 =	sld [smem:$0x3FBA];
	_ =	sdelay $0x3  }
0x34: {  	[smem:$0x3FBA] =	sst s10  }
0x35: {  	s10 =	sld [smem:$0x3FB9];
	_ =	sdelay $0x3  }
0x36: {  	p1 =	seq.s32 s10, $0x1;
	s10 =	sld [smem:$0x3FBA];
	_ =	sdelay $0x3  }
0x37: {  	[smem:$0x3FBA] =	sst s10  }
0x38: {  	s10 =	sld [smem:$0x3FBB]  }
0x39: {  	_ = 	snop;
	(pc) =	sbr.ind lr, $3  }
0x3a: {  	_ = 	snop  }
0x3b: {  	_ = 	snop  }
0x3c: {  	p2 =	seq.s32 s10, $0x1;
	s10 =	sld [smem:$0x3FBA]  }
0x3d: {  	_ =	shalt  }
0x3e: {  	_ =	shalt  }
0x3f: {  	_ =	shalt  }
0x40: {  	_ =	shalt  }
0x41: {  	_ =	shalt  }
0x42: {  	_ =	shalt  }
0x43: {  	_ =	shalt  }
0x44: {  	_ =	shalt  }
0x45: {  	_ =	shalt  }
0x46: {  	_ =	shalt  }
0x47: {  	_ =	shalt  }
0x48: {  	_ =	shalt  }
0x49: {  	_ =	shalt  }
0x4a: {  	_ =	shalt  }
0x4b: {  	_ =	shalt  }
0x4c: {  	_ =	shalt  }
0x4d: {  	_ =	shalt  }
0x4e: {  	_ =	shalt  }
0x4f: {  	_ =	shalt  }
0x50: {  	_ =	shalt  }
0x51: {  	_ =	shalt  }
0x52: {  	_ =	shalt  }
0x53: {  	_ =	shalt  }
0x54: {  	_ =	shalt  }
0x55: {  	_ =	shalt  }
0x56: {  	_ =	shalt  }
0x57: {  	_ =	shalt  }
0x58: {  	_ =	shalt  }
0x59: {  	_ =	shalt  }
0x5a: {  	_ =	shalt  }
0x5b: {  	_ =	shalt  }
0x5c: {  	_ =	shalt  }
0x5d: {  	_ =	shalt  }
0x5e: {  	_ =	shalt  }
0x5f: {  	_ =	shalt  }
0x60: {  	_ =	shalt  }
0x61: {  	_ =	shalt  }
0x62: {  	_ =	shalt  }
0x63: {  	_ =	shalt  }
0x64: {  	_ =	shalt  }
0x65: {  	_ =	shalt  }
0x66: {  	_ =	shalt  }
0x67: {  	_ =	shalt  }
0x68: {  	_ =	shalt  }
0x69: {  	_ =	shalt  }
0x6a: {  	_ =	shalt  }
0x6b: {  	_ =	shalt  }
0x6c: {  	_ =	shalt  }
0x6d: {  	_ =	shalt  }
0x6e: {  	_ =	shalt  }
0x6f: {  	_ =	shalt  }
0x70: {  	_ =	shalt  }
0x71: {  	_ =	shalt  }
0x72: {  	_ =	shalt  }
0x73: {  	_ =	shalt  }
0x74: {  	_ =	shalt  }
0x75: {  	_ =	shalt  }
0x76: {  	_ =	shalt  }
0x77: {  	_ =	shalt  }
0x78: {  	_ =	shalt  }
0x79: {  	_ =	shalt  }
0x7a: {  	_ =	shalt  }
0x7b: {  	_ =	shalt  }
0x7c: {  	_ =	shalt  }
0x7d: {  	_ =	shalt  }
0x7e: {  	_ =	shalt  }
0x7f: {  	_ =	shalt  }
0x80: {  	_ =	shalt  }
0x81: {  	_ =	shalt  }
0x82: {  	_ =	shalt  }
0x83: {  	_ =	shalt  }
0x84: {  	_ =	shalt  }
0x85: {  	_ =	shalt  }
0x86: {  	_ =	shalt  }
0x87: {  	_ =	shalt  }
.Lfunc_end0:
.L_simem_size_0:
called_computation_lowered:
.L_overlay_start_0:
0x88: {  	s2 =	sld [smem:$0x3FD9]  }
0x89: {  	s3 =	sld [smem:$0x3FFE];
	_ =	sdelay $0x1  }
0x8a: {  	s1 =	srdreg.scid  }
0x8b: {  	s0 =	sand.u32 $0x1, s1  }
0x8c: {  	s17 =	sshll.u32 s0, $0xA;
	s2 =	sadd.s32 s3, s2  }
0x8d: {  	s2 =	sadd.s32 s2, s17  }
0x8e: {  	[smem:$0x3FC6] =	sst s2  }
0x8f: {  	_ = 	snop  }
0x90: {  	s2 =	sld [smem:$0x3FD0];
	(tm) =	ssettm $0x1  }
0x91: {  	s18 =	sld [smem:$0x3FFB];
	_ =	sdelay $0x3  }
0x92: {  	_ =	strace s18  }
0x93: {  	s3 =	sld [smem:$0x3FFC];
	_ =	sdelay $0x3  }
0x94: {  	_ =	strace s3  }
0x95: {  	s3 =	sld [smem:$0x3FFD];
	_ =	sdelay $0x3  }
0x96: {  	_ =	strace s3  }
0x97: {  	_ =	strace $0x8FFFFFFF  }
0x98: {  	s19 =	sld [smem:$0x3FDB];
	_ =	sdelay $0x1  }
0x99: {  	s4 =	simm.s32 $_scs_section_size  }
0x9a: {  	s5 =	simm.s32 $_size__tile_overlayer_lowered;
	s6 =	simm.s32 $_tile_overlayer_lowered  }
0x9b: {  	s22 =	simm.s32 $0x1BFF;
	s21 =	sshll.u32 s6, $0x1;
	s3 =	sadd.s32 s4, s19  }
0x9c: {  	s7 =	simm.s32 $0x0;
	s20 =	sshll.u32 s5, $0x1;
	s5 =	sadd.s32 s21, s3  }
0x9d: {  	[timem:s7], [sflag:s22] =	dma.local [hbm:s5], s20  }
0x9e: {  	_ =	swait.ge [sflag:s22], s20  }
0x9f: {  	s4 =	ssub.s32 $0x0, s20;
	[sflag:s22] =	ssyncset.done $0x0  }
0xa0: {  	[sflag:s22] =	ssyncadd.s32 s4;
	_ =	sdelay $0x1  }
0xa1: {  	s23 =	simm.s32 $0x1B8B  }
0xa2: {  	_ =	swait.ge [sflag:s23], $0x1  }
0xa3: {  	[sflag:s23] =	ssyncset.done $0x0  }
0xa4: {  	s25 =	simm.s32 $0x1B8E;
	s24 =	sld [smem:$0x3FFE];
	[sflag:s23] =	ssyncadd.s32 $0xFFFFFFFF  }
0xa5: {  	s26 =	simm.s32 $execute0_lowered;
	[smem:$0x3FD2] =	sst s25  }
0xa6: {  	s5 =	sshll.u32 s26, $0x1;
	_ =	strace $0x80000046;
	[dreg:$0x1] =	wrdreg $0xFFFFFFFF  }
0xa7: {  	s28 =	simm.s32 $_size_execute0_lowered;
	s3 =	sadd.s32 s3, s5;
	[dreg:$0x0] =	wrdreg $0x0  }
0xa8: {  	s5 =	sshll.u32 s28, $0x1;
	[dreg:$0x2] =	wrdreg s3  }
0xa9: {  	[dreg:$0x3] =	wrdreg s5  }
0xaa: {  	[dreg:$0x4] =	wrdreg $0xC0  }
0xab: {  	_ =	task [dreg:s7], $0x5FFFF  }
0xac: {  	[dreg:$0x1] =	wrdreg $0xFFFFFFFF  }
0xad: {  	[dreg:$0x0] =	wrdreg $0x60  }
0xae: {  	[dreg:$0x2] =	wrdreg s2  }
0xaf: {  	[dreg:$0x3] =	wrdreg s24  }
0xb0: {  	[dreg:$0x4] =	wrdreg $0x9  }
0xb1: {  	_ =	task.clear_ibuf [dreg:s7], $0x5FFFF;
	_ =	strace $0x90000046  }
0xb2: {  	s29 =	simm.s32 $0x9;
	_ =	strace $0x80000048  }
0xb3: {  	_ =	swait.ge [sflag:s29], $0x1  }
0xb4: {  	[sflag:s29] =	ssyncadd.s32 $0xFFFFFFFF  }
0xb5: {  	_ =	strace $0x90000048  }
0xb6: {  	_ =	sfence  }
0xb7: {  	s30 =	sld [smem:$0x0];
	_ =	sdelay $0x2  }
0xb8: {  	s31 =	sshll.u32 s1, $0xD;
	s1 =	sshrl.u32 s1, $0x2  }
0xb9: {  	s3 =	sand.u32 $0x4000, s31;
	s1 =	sadd.s32 s1, s30  }
0xba: {  	s0 =	sor.u32 s3, s0;
	s1 =	sshll.u32 s1, $0x11  }
0xbb: {  	s0 =	sor.u32 s1, s0  }
0xbc: {  	s0 =	sadd.s32 $0x8F2B, s0  }
0xbd: {  	[sflag:s0] =	ssyncadd.remote.s32 $0x1  }
0xbe: {  	_ =	sfence.sel $0xFFFF  }
0xbf: {  	[dreg:$0x0] =	wrdreg $0xFFFFFFFF;
	(pc) =	sbr.abs _section_cstart, $3  }
0xc0: {  	[dreg:$0x1] =	wrdreg $0xFFFFFFFF  }
0xc1: {  	_ =	task.clear_ibuf [dreg:s7], $0x2FFFF;
	_ =	strace $0x9FFFFFFF  }
0xc2: {  	(tm) =	ssettm $0x7FFFFFFF  }
0xc3: {  	_ =	shalt  }
tec
execute0_lowered:
.L_overlay_start_1:
0x0: {  	(tag) =	ssettag $0x1  }
0x1: {  	s4 =	rddreg [dreg:$0x0]  }
0x2: {  	s3 =	rddreg [dreg:$0x1]  }
0x3: {  	s0 =	rddreg [dreg:$0x2]  }
0x4: {  	s2 =	simm.s32 $0x0;
	s1 =	stileid.u32;
	s6 =	srdreg.scid  }
0x5: {  	s11 =	simm.s32 $0x12200;
	s12 =	simm.s32 $0x40;
	s13 =	simm.s32 $0x1000  }
0x6: {  	s14 =	simm.s32 $0x0;
	[smem:$0x7FF] =	sst s2;
	s5 =	sshrl.u32 s1, $0x1  }
0x7: {  	s6 =	sand.u32 $0x1, s6;
	s8 =	sshll.u32 s1, $0x1;
	_ =	strace $0x80000047  }
0x8: {  	s7 =	sshll.u32 s5, $0xC;
	s29 =	ssub.s32 $0x2, s6;
	s8 =	sand.u32 $0x2, s8  }
0x9: {  	s30 =	sshll.u32 s5, $0x9;
	s9 =	sadd.s32 s7, s3;
	s10 =	sshrl.u32 s29, $0x1  }
0xa: {  	s3 =	sadd.s32 $0x8800, s3;
	s6 =	sor.u32 s6, s8;
	s7 =	ssub.s32 s29, s10  }
0xb: {  	s31 =	sshll.u32 s6, $0xD;
	s5 =	sadd.s32 $0x800, s9;
	s6 =	sshll.u32 s6, $0x10  }
0xc: {  	v0 =	vlaneseq.u32;
	s8 =	sadd.s32 $0xA00, s9;
	s9 =	simm.s32 $0x3;
	s10 =	simm.s32 $0x10000  }
0xd: {  	v0 =	vmul.u32 $0x40, v0;
	s4 =	sadd.s32 s4, s31;
	s6 =	sor.u32 s30, s6;
	s7 =	smax.u32 s7, $0x1  }
.LBB2_1:
0xe: {  	[tilespmem:s2], [sflag:$0x3] =	stream.linear.gather [hbm4b:s4+s2], $0x10000, $0x38;
	[tilespmem:$0x12600] =	vst v63  }
0xf: {  	_ =	swait.ge [sflag:s9], $0x10000  }
0x10: {  	[sflag:s9] =	ssyncset.done $0x0  }
0x11: {  	p0 =	por $0x0, $0x0;
	s15 =	simm.s32 $0x0;
	[sflag:s9] =	ssyncadd.s32 $0xFFFF0000  }
0x12: {  	[tilespmem:s10], [sflag:$0x1] =	stream.linear.gather [hbm4b:s5+s2], $0x1000, $0x38;
	[tilespmem:$0x12600] =	vst v63  }
.LBB2_2:
0x13: {  	s16 =	sand.u32 $0x1, s15;
	p1 =	seq.s32 s15, $0x7  }
0x14: {  	s17 =	sxor.u32 @!p1 $0x1, s16  }
0x15: {  	s19 =	sshll.u32 @!p1 s15, $0x9;
	s20 =	simm.s32 @!p1 $0x0;
	s18 =	sshll.u32 @!p1 s17, $0xC  }
0x16: {  	s17 =	sadd.s32 @!p1 $0x1, s17;
	s19 =	sadd.s32 @!p1 s8, s19;
	s18 =	sor.u32 @!p1 $0x10000, s18  }
0x17: {  	[tilespmem:s18], [sflag:s17] =	stream.linear.gather @!p1 [hbm4b:s19+s20], $0x1000, $0x38;
	[tilespmem:$0x12600] =	vst v63  }
0x18: {  	s30 =	sadd.s32 $0x1, s16;
	s17 =	simm.s32 $0x1  }
0x19: {  	s17 =	simm.s32 @!p0 $0x0;
	_ =	swait.ge [sflag:s30], $0x1000  }
0x1a: {  	s31 =	sshll.u32 s17, $0xC;
	[sflag:s30] =	ssyncset.done $0x0  }
0x1b: {  	s17 =	simm.s32 $0x0;
	s16 =	sor.u32 $0x10020, s31;
	[sflag:s30] =	ssyncadd.s32 $0xFFFFF000  }
.LBB2_3:
0x1c: {  	v8 =	vld [tilespmem:s16+$0xFFFFFFE0];
	_ =	sdelay $0x4  }
0x1d: {  	(v2sf) =	vpush v8, $0x0;
	_ =	sdelay $0x1  }
0x1e: {  	(v2sf) =	vpush v8, $0x1;
	_ =	sdelay $0xa  }
0x1f: {  	(v2sf) =	vpush v8, $0x2;
	_ =	sdelay $0x1  }
0x20: {  	s18 =	spop (v2sf);
	(v2sf) =	vpush v8, $0x3  }
0x21: {  	s19 =	sand.u32 $0xFFFF, s18  }
0x22: {  	s20 =	spop (v2sf);
	s18 =	sshrl.u32 s18, $0x10;
	v1 =	vld [tilespmem:s19+$0x0]  }
0x23: {  	v2 =	vld [tilespmem:s18+$0x0];
	s26 =	sand.u32 $0xFFFF, s20  }
0x24: {  	s28 =	sshrl.u32 s20, $0x10;
	v3 =	vld [tilespmem:s26+$0x0]  }
0x25: {  	v4 =	vld [tilespmem:s28+$0x0];
	_ =	sdelay $0x4  }
0x26: {  	v1 =	vmul.f32 v2, v1;
	v2 =	vmul.f32 v4, v3  }
0x27: {  	(v2sf) =	vpush v8, $0x4  }
0x28: {  	v16 =	vld [tilespmem:s16+$0xFFFFFFF0];
	v1 =	vmul.f32 v2, v1  }
0x29: {  	v19 =	vld [tilespmem:s16+$0x0];
	s29 =	spop (v2sf);
	(v2sf) =	vpush v8, $0x5  }
0x2a: {  	v6 =	vld [tilespmem:s16+$0x10];
	s30 =	sand.u32 $0xFFFF, s29;
	[tilespmem:$0x12000] =	vst v1  }
0x2b: {  	s18 =	sshrl.u32 s29, $0x10;
	v2 =	vld [tilespmem:s30+$0x0];
	s31 =	spop (v2sf)  }
0x2c: {  	v3 =	vld [tilespmem:s18+$0x0];
	s21 =	sand.u32 $0xFFFF, s31  }
0x2d: {  	s22 =	sshrl.u32 s31, $0x10;
	v57 =	vld [tilespmem:s21+$0x0]  }
0x2e: {  	v5 =	vld [tilespmem:s22+$0x0];
	_ =	sdelay $0x4  }
0x2f: {  	v2 =	vmul.f32 v3, v2;
	v3 =	vmul.f32 v5, v57  }
0x30: {  	(v2sf) =	vpush v8, $0x6  }
0x31: {  	v2 =	vmul.f32 v3, v2  }
0x32: {  	s23 =	spop (v2sf);
	(v2sf) =	vpush v8, $0x7  }
0x33: {  	s24 =	sand.u32 $0xFFFF, s23;
	[tilespmem:$0x12010] =	vst v2  }
0x34: {  	s25 =	spop (v2sf);
	s18 =	sshrl.u32 s23, $0x10;
	v3 =	vld [tilespmem:s24+$0x0]  }
0x35: {  	s26 =	sand.u32 $0xFFFF, s25;
	v58 =	vld [tilespmem:s18+$0x0]  }
0x36: {  	s28 =	sshrl.u32 s25, $0x10;
	v59 =	vld [tilespmem:s26+$0x0]  }
0x37: {  	v7 =	vld [tilespmem:s28+$0x0];
	_ =	sdelay $0x4  }
0x38: {  	v3 =	vmul.f32 v58, v3;
	v60 =	vmul.f32 v7, v59  }
0x39: {  	(v2sf) =	vpush v8, $0x8  }
0x3a: {  	v3 =	vmul.f32 v60, v3  }
0x3b: {  	s29 =	spop (v2sf);
	(v2sf) =	vpush v8, $0x9  }
0x3c: {  	s30 =	sand.u32 $0xFFFF, s29;
	[tilespmem:$0x12020] =	vst v3  }
0x3d: {  	s31 =	spop (v2sf);
	s18 =	sshrl.u32 s29, $0x10;
	v61 =	vld [tilespmem:s30+$0x0]  }
0x3e: {  	s21 =	sand.u32 $0xFFFF, s31;
	v62 =	vld [tilespmem:s18+$0x0]  }
0x3f: {  	s22 =	sshrl.u32 s31, $0x10;
	v63 =	vld [tilespmem:s21+$0x0]  }
0x40: {  	v9 =	vld [tilespmem:s22+$0x0];
	_ =	sdelay $0x4  }
0x41: {  	v4 =	vmul.f32 v62, v61;
	v12 =	vmul.f32 v9, v63  }
0x42: {  	(v2sf) =	vpush v8, $0xA  }
0x43: {  	v4 =	vmul.f32 v12, v4  }
0x44: {  	s23 =	spop (v2sf);
	(v2sf) =	vpush v8, $0xB  }
0x45: {  	s24 =	sand.u32 $0xFFFF, s23;
	[tilespmem:$0x12030] =	vst v4  }
0x46: {  	s18 =	sshrl.u32 s23, $0x10;
	s25 =	spop (v2sf);
	v13 =	vld [tilespmem:s24+$0x0]  }
0x47: {  	s26 =	sand.u32 $0xFFFF, s25;
	v14 =	vld [tilespmem:s18+$0x0]  }
0x48: {  	s28 =	sshrl.u32 s25, $0x10;
	v15 =	vld [tilespmem:s26+$0x0]  }
0x49: {  	v10 =	vld [tilespmem:s28+$0x0];
	_ =	sdelay $0x4  }
0x4a: {  	v5 =	vmul.f32 v14, v13;
	v17 =	vmul.f32 v10, v15  }
0x4b: {  	(v2sf) =	vpush v8, $0xC  }
0x4c: {  	v5 =	vmul.f32 v17, v5  }
0x4d: {  	s29 =	spop (v2sf);
	(v2sf) =	vpush v8, $0xD  }
0x4e: {  	s30 =	sand.u32 $0xFFFF, s29;
	[tilespmem:$0x12040] =	vst v5  }
0x4f: {  	s31 =	spop (v2sf);
	s18 =	sshrl.u32 s29, $0x10;
	v18 =	vld [tilespmem:s30+$0x0]  }
0x50: {  	s21 =	sand.u32 $0xFFFF, s31;
	v20 =	vld [tilespmem:s18+$0x0]  }
0x51: {  	s22 =	sshrl.u32 s31, $0x10;
	v21 =	vld [tilespmem:s21+$0x0]  }
0x52: {  	v11 =	vld [tilespmem:s22+$0x0];
	_ =	sdelay $0x4  }
0x53: {  	v7 =	vmul.f32 v20, v18;
	v22 =	vmul.f32 v11, v21  }
0x54: {  	(v2sf) =	vpush v8, $0xE  }
0x55: {  	v7 =	vmul.f32 v22, v7  }
0x56: {  	s23 =	spop (v2sf);
	(v2sf) =	vpush v8, $0xF  }
0x57: {  	s24 =	sand.u32 $0xFFFF, s23;
	[tilespmem:$0x12050] =	vst v7  }
0x58: {  	s25 =	spop (v2sf);
	s18 =	sshrl.u32 s23, $0x10;
	v23 =	vld [tilespmem:s24+$0x0]  }
0x59: {  	s26 =	sand.u32 $0xFFFF, s25;
	v24 =	vld [tilespmem:s18+$0x0]  }
0x5a: {  	s28 =	sshrl.u32 s25, $0x10;
	v25 =	vld [tilespmem:s26+$0x0]  }
0x5b: {  	v26 =	vld [tilespmem:s28+$0x0];
	_ =	sdelay $0x4  }
0x5c: {  	v8 =	vmul.f32 v24, v23;
	v27 =	vmul.f32 v26, v25  }
0x5d: {  	(v2sf) =	vpush v16, $0x0  }
0x5e: {  	v8 =	vmul.f32 v27, v8  }
0x5f: {  	s29 =	spop (v2sf);
	(v2sf) =	vpush v16, $0x1  }
0x60: {  	s30 =	sand.u32 $0xFFFF, s29;
	[tilespmem:$0x12060] =	vst v8  }
0x61: {  	s18 =	sshrl.u32 s29, $0x10;
	s31 =	spop (v2sf);
	v28 =	vld [tilespmem:s30+$0x0]  }
0x62: {  	s21 =	sand.u32 $0xFFFF, s31;
	v29 =	vld [tilespmem:s18+$0x0]  }
0x63: {  	s22 =	sshrl.u32 s31, $0x10;
	v30 =	vld [tilespmem:s21+$0x0]  }
0x64: {  	v12 =	vld [tilespmem:s22+$0x0];
	_ =	sdelay $0x4  }
0x65: {  	v9 =	vmul.f32 v29, v28;
	v31 =	vmul.f32 v12, v30  }
0x66: {  	(v2sf) =	vpush v16, $0x2  }
0x67: {  	v9 =	vmul.f32 v31, v9  }
0x68: {  	s23 =	spop (v2sf);
	(v2sf) =	vpush v16, $0x3  }
0x69: {  	s24 =	sand.u32 $0xFFFF, s23;
	[tilespmem:$0x12070] =	vst v9  }
0x6a: {  	s25 =	spop (v2sf);
	s18 =	sshrl.u32 s23, $0x10;
	v32 =	vld [tilespmem:s24+$0x0]  }
0x6b: {  	s26 =	sand.u32 $0xFFFF, s25;
	v33 =	vld [tilespmem:s18+$0x0]  }
0x6c: {  	s28 =	sshrl.u32 s25, $0x10;
	v34 =	vld [tilespmem:s26+$0x0]  }
0x6d: {  	v13 =	vld [tilespmem:s28+$0x0];
	_ =	sdelay $0x4  }
0x6e: {  	v10 =	vmul.f32 v33, v32;
	v35 =	vmul.f32 v13, v34  }
0x6f: {  	(v2sf) =	vpush v16, $0x4  }
0x70: {  	v10 =	vmul.f32 v35, v10  }
0x71: {  	s29 =	spop (v2sf);
	(v2sf) =	vpush v16, $0x5  }
0x72: {  	s30 =	sand.u32 $0xFFFF, s29;
	[tilespmem:$0x12080] =	vst v10  }
0x73: {  	s31 =	spop (v2sf);
	s18 =	sshrl.u32 s29, $0x10;
	v36 =	vld [tilespmem:s30+$0x0]  }
0x74: {  	s21 =	sand.u32 $0xFFFF, s31;
	v37 =	vld [tilespmem:s18+$0x0]  }
0x75: {  	s22 =	sshrl.u32 s31, $0x10;
	v38 =	vld [tilespmem:s21+$0x0]  }
0x76: {  	v14 =	vld [tilespmem:s22+$0x0];
	_ =	sdelay $0x4  }
0x77: {  	v11 =	vmul.f32 v37, v36;
	v39 =	vmul.f32 v14, v38  }
0x78: {  	(v2sf) =	vpush v16, $0x6  }
0x79: {  	v11 =	vmul.f32 v39, v11  }
0x7a: {  	s23 =	spop (v2sf);
	(v2sf) =	vpush v16, $0x7  }
0x7b: {  	s24 =	sand.u32 $0xFFFF, s23;
	[tilespmem:$0x12090] =	vst v11  }
0x7c: {  	s18 =	sshrl.u32 s23, $0x10;
	s25 =	spop (v2sf);
	v40 =	vld [tilespmem:s24+$0x0]  }
0x7d: {  	s26 =	sand.u32 $0xFFFF, s25;
	v41 =	vld [tilespmem:s18+$0x0]  }
0x7e: {  	s28 =	sshrl.u32 s25, $0x10;
	v42 =	vld [tilespmem:s26+$0x0]  }
0x7f: {  	v15 =	vld [tilespmem:s28+$0x0];
	_ =	sdelay $0x4  }
0x80: {  	v12 =	vmul.f32 v41, v40;
	v43 =	vmul.f32 v15, v42  }
0x81: {  	(v2sf) =	vpush v16, $0x8  }
0x82: {  	v12 =	vmul.f32 v43, v12  }
0x83: {  	s29 =	spop (v2sf);
	(v2sf) =	vpush v16, $0x9  }
0x84: {  	s30 =	sand.u32 $0xFFFF, s29;
	[tilespmem:$0x120A0] =	vst v12  }
0x85: {  	s31 =	spop (v2sf);
	s18 =	sshrl.u32 s29, $0x10;
	v44 =	vld [tilespmem:s30+$0x0]  }
0x86: {  	s21 =	sand.u32 $0xFFFF, s31;
	v45 =	vld [tilespmem:s18+$0x0]  }
0x87: {  	s22 =	sshrl.u32 s31, $0x10;
	v46 =	vld [tilespmem:s21+$0x0]  }
0x88: {  	v17 =	vld [tilespmem:s22+$0x0];
	_ =	sdelay $0x4  }
0x89: {  	v13 =	vmul.f32 v45, v44;
	v47 =	vmul.f32 v17, v46  }
0x8a: {  	(v2sf) =	vpush v16, $0xA  }
0x8b: {  	v13 =	vmul.f32 v47, v13  }
0x8c: {  	s23 =	spop (v2sf);
	(v2sf) =	vpush v16, $0xB  }
0x8d: {  	s24 =	sand.u32 $0xFFFF, s23;
	[tilespmem:$0x120B0] =	vst v13  }
0x8e: {  	s25 =	spop (v2sf);
	s18 =	sshrl.u32 s23, $0x10;
	v48 =	vld [tilespmem:s24+$0x0]  }
0x8f: {  	s26 =	sand.u32 $0xFFFF, s25;
	v49 =	vld [tilespmem:s18+$0x0]  }
0x90: {  	s28 =	sshrl.u32 s25, $0x10;
	v50 =	vld [tilespmem:s26+$0x0]  }
0x91: {  	v18 =	vld [tilespmem:s28+$0x0];
	_ =	sdelay $0x4  }
0x92: {  	v14 =	vmul.f32 v49, v48;
	v51 =	vmul.f32 v18, v50  }
0x93: {  	(v2sf) =	vpush v16, $0xC  }
0x94: {  	v14 =	vmul.f32 v51, v14  }
0x95: {  	s29 =	spop (v2sf);
	(v2sf) =	vpush v16, $0xD  }
0x96: {  	s30 =	sand.u32 $0xFFFF, s29;
	[tilespmem:$0x120C0] =	vst v14  }
0x97: {  	s18 =	sshrl.u32 s29, $0x10;
	s31 =	spop (v2sf);
	v52 =	vld [tilespmem:s30+$0x0]  }
0x98: {  	s21 =	sand.u32 $0xFFFF, s31;
	v53 =	vld [tilespmem:s18+$0x0]  }
0x99: {  	s22 =	sshrl.u32 s31, $0x10;
	v54 =	vld [tilespmem:s21+$0x0]  }
0x9a: {  	v20 =	vld [tilespmem:s22+$0x0];
	_ =	sdelay $0x4  }
0x9b: {  	v15 =	vmul.f32 v53, v52;
	v55 =	vmul.f32 v20, v54  }
0x9c: {  	(v2sf) =	vpush v16, $0xE  }
0x9d: {  	v15 =	vmul.f32 v55, v15  }
0x9e: {  	s23 =	spop (v2sf);
	(v2sf) =	vpush v16, $0xF  }
0x9f: {  	s24 =	sand.u32 $0xFFFF, s23;
	[tilespmem:$0x120D0] =	vst v15  }
0xa0: {  	s25 =	spop (v2sf);
	s18 =	sshrl.u32 s23, $0x10;
	v56 =	vld [tilespmem:s24+$0x0]  }
0xa1: {  	s26 =	sand.u32 $0xFFFF, s25;
	v57 =	vld [tilespmem:s18+$0x0]  }
0xa2: {  	s28 =	sshrl.u32 s25, $0x10;
	v58 =	vld [tilespmem:s26+$0x0]  }
0xa3: {  	v59 =	vld [tilespmem:s28+$0x0];
	_ =	sdelay $0x4  }
0xa4: {  	v16 =	vmul.f32 v57, v56;
	v60 =	vmul.f32 v59, v58  }
0xa5: {  	(v2sf) =	vpush v19, $0x0  }
0xa6: {  	v16 =	vmul.f32 v60, v16  }
0xa7: {  	s29 =	spop (v2sf);
	(v2sf) =	vpush v19, $0x1  }
0xa8: {  	s30 =	sand.u32 $0xFFFF, s29;
	[tilespmem:$0x120E0] =	vst v16  }
0xa9: {  	s31 =	spop (v2sf);
	s18 =	sshrl.u32 s29, $0x10;
	v61 =	vld [tilespmem:s30+$0x0]  }
0xaa: {  	s21 =	sand.u32 $0xFFFF, s31;
	v62 =	vld [tilespmem:s18+$0x0]  }
0xab: {  	s22 =	sshrl.u32 s31, $0x10;
	v63 =	vld [tilespmem:s21+$0x0]  }
0xac: {  	v21 =	vld [tilespmem:s22+$0x0];
	_ =	sdelay $0x4  }
0xad: {  	v17 =	vmul.f32 v62, v61;
	v23 =	vmul.f32 v21, v63  }
0xae: {  	(v2sf) =	vpush v19, $0x2  }
0xaf: {  	v17 =	vmul.f32 v23, v17  }
0xb0: {  	s23 =	spop (v2sf);
	(v2sf) =	vpush v19, $0x3  }
0xb1: {  	s24 =	sand.u32 $0xFFFF, s23;
	[tilespmem:$0x120F0] =	vst v17  }
0xb2: {  	s18 =	sshrl.u32 s23, $0x10;
	s25 =	spop (v2sf);
	v24 =	vld [tilespmem:s24+$0x0]  }
0xb3: {  	s26 =	sand.u32 $0xFFFF, s25;
	v25 =	vld [tilespmem:s18+$0x0]  }
0xb4: {  	s28 =	sshrl.u32 s25, $0x10;
	v26 =	vld [tilespmem:s26+$0x0]  }
0xb5: {  	v22 =	vld [tilespmem:s28+$0x0];
	_ =	sdelay $0x4  }
0xb6: {  	v18 =	vmul.f32 v25, v24;
	v27 =	vmul.f32 v22, v26  }
0xb7: {  	(v2sf) =	vpush v19, $0x4  }
0xb8: {  	v18 =	vmul.f32 v27, v18  }
0xb9: {  	s29 =	spop (v2sf);
	(v2sf) =	vpush v19, $0x5  }
0xba: {  	s30 =	sand.u32 $0xFFFF, s29;
	[tilespmem:$0x12100] =	vst v18  }
0xbb: {  	s31 =	spop (v2sf);
	s18 =	sshrl.u32 s29, $0x10;
	v28 =	vld [tilespmem:s30+$0x0]  }
0xbc: {  	s21 =	sand.u32 $0xFFFF, s31;
	v29 =	vld [tilespmem:s18+$0x0]  }
0xbd: {  	s22 =	sshrl.u32 s31, $0x10;
	v30 =	vld [tilespmem:s21+$0x0]  }
0xbe: {  	v23 =	vld [tilespmem:s22+$0x0];
	_ =	sdelay $0x4  }
0xbf: {  	v20 =	vmul.f32 v29, v28;
	v31 =	vmul.f32 v23, v30  }
0xc0: {  	(v2sf) =	vpush v19, $0x6  }
0xc1: {  	v20 =	vmul.f32 v31, v20  }
0xc2: {  	s23 =	spop (v2sf);
	(v2sf) =	vpush v19, $0x7  }
0xc3: {  	s24 =	sand.u32 $0xFFFF, s23;
	[tilespmem:$0x12110] =	vst v20  }
0xc4: {  	s25 =	spop (v2sf);
	s18 =	sshrl.u32 s23, $0x10;
	v32 =	vld [tilespmem:s24+$0x0]  }
0xc5: {  	s26 =	sand.u32 $0xFFFF, s25;
	v33 =	vld [tilespmem:s18+$0x0]  }
0xc6: {  	s28 =	sshrl.u32 s25, $0x10;
	v34 =	vld [tilespmem:s26+$0x0]  }
0xc7: {  	v24 =	vld [tilespmem:s28+$0x0];
	_ =	sdelay $0x4  }
0xc8: {  	v21 =	vmul.f32 v33, v32;
	v35 =	vmul.f32 v24, v34  }
0xc9: {  	(v2sf) =	vpush v19, $0x8  }
0xca: {  	v21 =	vmul.f32 v35, v21  }
0xcb: {  	s29 =	spop (v2sf);
	(v2sf) =	vpush v19, $0x9  }
0xcc: {  	s30 =	sand.u32 $0xFFFF, s29;
	[tilespmem:$0x12120] =	vst v21  }
0xcd: {  	s18 =	sshrl.u32 s29, $0x10;
	s31 =	spop (v2sf);
	v36 =	vld [tilespmem:s30+$0x0]  }
0xce: {  	s21 =	sand.u32 $0xFFFF, s31;
	v37 =	vld [tilespmem:s18+$0x0]  }
0xcf: {  	s22 =	sshrl.u32 s31, $0x10;
	v38 =	vld [tilespmem:s21+$0x0]  }
0xd0: {  	v25 =	vld [tilespmem:s22+$0x0];
	_ =	sdelay $0x4  }
0xd1: {  	v22 =	vmul.f32 v37, v36;
	v39 =	vmul.f32 v25, v38  }
0xd2: {  	(v2sf) =	vpush v19, $0xA  }
0xd3: {  	v22 =	vmul.f32 v39, v22  }
0xd4: {  	s23 =	spop (v2sf);
	(v2sf) =	vpush v19, $0xB  }
0xd5: {  	s24 =	sand.u32 $0xFFFF, s23;
	[tilespmem:$0x12130] =	vst v22  }
0xd6: {  	s25 =	spop (v2sf);
	s18 =	sshrl.u32 s23, $0x10;
	v40 =	vld [tilespmem:s24+$0x0]  }
0xd7: {  	s26 =	sand.u32 $0xFFFF, s25;
	v41 =	vld [tilespmem:s18+$0x0]  }
0xd8: {  	s28 =	sshrl.u32 s25, $0x10;
	v42 =	vld [tilespmem:s26+$0x0]  }
0xd9: {  	v26 =	vld [tilespmem:s28+$0x0];
	_ =	sdelay $0x4  }
0xda: {  	v23 =	vmul.f32 v41, v40;
	v43 =	vmul.f32 v26, v42  }
0xdb: {  	(v2sf) =	vpush v19, $0xC  }
0xdc: {  	v23 =	vmul.f32 v43, v23  }
0xdd: {  	s29 =	spop (v2sf);
	(v2sf) =	vpush v19, $0xD  }
0xde: {  	s30 =	sand.u32 $0xFFFF, s29;
	[tilespmem:$0x12140] =	vst v23  }
0xdf: {  	s31 =	spop (v2sf);
	s18 =	sshrl.u32 s29, $0x10;
	v44 =	vld [tilespmem:s30+$0x0]  }
0xe0: {  	s21 =	sand.u32 $0xFFFF, s31;
	v45 =	vld [tilespmem:s18+$0x0]  }
0xe1: {  	s22 =	sshrl.u32 s31, $0x10;
	v46 =	vld [tilespmem:s21+$0x0]  }
0xe2: {  	v27 =	vld [tilespmem:s22+$0x0];
	_ =	sdelay $0x4  }
0xe3: {  	v24 =	vmul.f32 v45, v44;
	v47 =	vmul.f32 v27, v46  }
0xe4: {  	(v2sf) =	vpush v19, $0xE  }
0xe5: {  	v24 =	vmul.f32 v47, v24  }
0xe6: {  	s23 =	spop (v2sf);
	(v2sf) =	vpush v19, $0xF  }
0xe7: {  	s24 =	sand.u32 $0xFFFF, s23;
	[tilespmem:$0x12150] =	vst v24  }
0xe8: {  	s18 =	sshrl.u32 s23, $0x10;
	s25 =	spop (v2sf);
	v48 =	vld [tilespmem:s24+$0x0]  }
0xe9: {  	s26 =	sand.u32 $0xFFFF, s25;
	v49 =	vld [tilespmem:s18+$0x0]  }
0xea: {  	s28 =	sshrl.u32 s25, $0x10;
	v50 =	vld [tilespmem:s26+$0x0]  }
0xeb: {  	v51 =	vld [tilespmem:s28+$0x0];
	_ =	sdelay $0x4  }
0xec: {  	v19 =	vmul.f32 v49, v48;
	v52 =	vmul.f32 v51, v50  }
0xed: {  	(v2sf) =	vpush v6, $0x0  }
0xee: {  	v19 =	vmul.f32 v52, v19  }
0xef: {  	s29 =	spop (v2sf);
	(v2sf) =	vpush v6, $0x1  }
0xf0: {  	s30 =	sand.u32 $0xFFFF, s29;
	[tilespmem:$0x12160] =	vst v19  }
0xf1: {  	s31 =	spop (v2sf);
	s18 =	sshrl.u32 s29, $0x10;
	v53 =	vld [tilespmem:s30+$0x0]  }
0xf2: {  	s21 =	sand.u32 $0xFFFF, s31;
	v54 =	vld [tilespmem:s18+$0x0]  }
0xf3: {  	s22 =	sshrl.u32 s31, $0x10;
	v55 =	vld [tilespmem:s21+$0x0]  }
0xf4: {  	v28 =	vld [tilespmem:s22+$0x0];
	_ =	sdelay $0x4  }
0xf5: {  	v25 =	vmul.f32 v54, v53;
	v56 =	vmul.f32 v28, v55  }
0xf6: {  	(v2sf) =	vpush v6, $0x2  }
0xf7: {  	v25 =	vmul.f32 v56, v25  }
0xf8: {  	s23 =	spop (v2sf);
	(v2sf) =	vpush v6, $0x3  }
0xf9: {  	s24 =	sand.u32 $0xFFFF, s23;
	[tilespmem:$0x12170] =	vst v25  }
0xfa: {  	s25 =	spop (v2sf);
	s18 =	sshrl.u32 s23, $0x10;
	v57 =	vld [tilespmem:s24+$0x0]  }
0xfb: {  	s26 =	sand.u32 $0xFFFF, s25;
	v58 =	vld [tilespmem:s18+$0x0]  }
0xfc: {  	s28 =	sshrl.u32 s25, $0x10;
	v59 =	vld [tilespmem:s26+$0x0]  }
0xfd: {  	v29 =	vld [tilespmem:s28+$0x0];
	_ =	sdelay $0x4  }
0xfe: {  	v26 =	vmul.f32 v58, v57;
	v60 =	vmul.f32 v29, v59  }
0xff: {  	(v2sf) =	vpush v6, $0x4  }
0x100: {  	v26 =	vmul.f32 v60, v26  }
0x101: {  	s29 =	spop (v2sf);
	(v2sf) =	vpush v6, $0x5  }
0x102: {  	s30 =	sand.u32 $0xFFFF, s29;
	[tilespmem:$0x12180] =	vst v26  }
0x103: {  	s18 =	sshrl.u32 s29, $0x10;
	s31 =	spop (v2sf);
	v61 =	vld [tilespmem:s30+$0x0]  }
0x104: {  	s21 =	sand.u32 $0xFFFF, s31;
	v62 =	vld [tilespmem:s18+$0x0]  }
0x105: {  	s22 =	sshrl.u32 s31, $0x10;
	v63 =	vld [tilespmem:s21+$0x0]  }
0x106: {  	v30 =	vld [tilespmem:s22+$0x0];
	_ =	sdelay $0x4  }
0x107: {  	v27 =	vmul.f32 v62, v61;
	v32 =	vmul.f32 v30, v63  }
0x108: {  	(v2sf) =	vpush v6, $0x6  }
0x109: {  	v27 =	vmul.f32 v32, v27  }
0x10a: {  	s23 =	spop (v2sf);
	(v2sf) =	vpush v6, $0x7  }
0x10b: {  	s24 =	sand.u32 $0xFFFF, s23;
	[tilespmem:$0x12190] =	vst v27  }
0x10c: {  	s25 =	spop (v2sf);
	s18 =	sshrl.u32 s23, $0x10;
	v33 =	vld [tilespmem:s24+$0x0]  }
0x10d: {  	s26 =	sand.u32 $0xFFFF, s25;
	v34 =	vld [tilespmem:s18+$0x0]  }
0x10e: {  	s28 =	sshrl.u32 s25, $0x10;
	v35 =	vld [tilespmem:s26+$0x0]  }
0x10f: {  	v31 =	vld [tilespmem:s28+$0x0];
	_ =	sdelay $0x4  }
0x110: {  	v28 =	vmul.f32 v34, v33;
	v36 =	vmul.f32 v31, v35  }
0x111: {  	(v2sf) =	vpush v6, $0x8  }
0x112: {  	v28 =	vmul.f32 v36, v28  }
0x113: {  	s29 =	spop (v2sf);
	(v2sf) =	vpush v6, $0x9  }
0x114: {  	s30 =	sand.u32 $0xFFFF, s29;
	[tilespmem:$0x121A0] =	vst v28  }
0x115: {  	s31 =	spop (v2sf);
	s18 =	sshrl.u32 s29, $0x10;
	v37 =	vld [tilespmem:s30+$0x0]  }
0x116: {  	s21 =	sand.u32 $0xFFFF, s31;
	v38 =	vld [tilespmem:s18+$0x0]  }
0x117: {  	s22 =	sshrl.u32 s31, $0x10;
	v39 =	vld [tilespmem:s21+$0x0]  }
0x118: {  	v32 =	vld [tilespmem:s22+$0x0];
	_ =	sdelay $0x4  }
0x119: {  	v29 =	vmul.f32 v38, v37;
	v40 =	vmul.f32 v32, v39  }
0x11a: {  	(v2sf) =	vpush v6, $0xA  }
0x11b: {  	v29 =	vmul.f32 v40, v29  }
0x11c: {  	s23 =	spop (v2sf);
	(v2sf) =	vpush v6, $0xB  }
0x11d: {  	s24 =	sand.u32 $0xFFFF, s23;
	[tilespmem:$0x121B0] =	vst v29  }
0x11e: {  	s18 =	sshrl.u32 s23, $0x10;
	s25 =	spop (v2sf);
	v41 =	vld [tilespmem:s24+$0x0]  }
0x11f: {  	s26 =	sand.u32 $0xFFFF, s25;
	v42 =	vld [tilespmem:s18+$0x0]  }
0x120: {  	s28 =	sshrl.u32 s25, $0x10;
	v43 =	vld [tilespmem:s26+$0x0]  }
0x121: {  	v33 =	vld [tilespmem:s28+$0x0];
	_ =	sdelay $0x4  }
0x122: {  	v30 =	vmul.f32 v42, v41;
	v44 =	vmul.f32 v33, v43  }
0x123: {  	(v2sf) =	vpush v6, $0xC  }
0x124: {  	v30 =	vmul.f32 v44, v30  }
0x125: {  	s29 =	spop (v2sf);
	(v2sf) =	vpush v6, $0xD  }
0x126: {  	s30 =	sand.u32 $0xFFFF, s29;
	[tilespmem:$0x121C0] =	vst v30  }
0x127: {  	s31 =	spop (v2sf);
	s18 =	sshrl.u32 s29, $0x10;
	v45 =	vld [tilespmem:s30+$0x0]  }
0x128: {  	s19 =	sand.u32 $0xFFFF, s31;
	v46 =	vld [tilespmem:s18+$0x0]  }
0x129: {  	s20 =	sshrl.u32 s31, $0x10;
	v47 =	vld [tilespmem:s19+$0x0]  }
0x12a: {  	v34 =	vld [tilespmem:s20+$0x0];
	_ =	sdelay $0x4  }
0x12b: {  	v35 =	vmax.f32 v1, v2;
	v31 =	vmul.f32 v46, v45;
	v48 =	vmul.f32 v34, v47  }
0x12c: {  	v49 =	vmax.f32 v35, v3;
	(v2sf) =	vpush v6, $0xE  }
0x12d: {  	v33 =	vmax.f32 v49, v4;
	v32 =	vmul.f32 v48, v31  }
0x12e: {  	v50 =	vmax.f32 v33, v5;
	s21 =	spop (v2sf);
	(v2sf) =	vpush v6, $0xF  }
0x12f: {  	v51 =	vmax.f32 v50, v7;
	s22 =	sand.u32 $0xFFFF, s21;
	[tilespmem:$0x121D0] =	vst v32  }
0x130: {  	v6 =	vmax.f32 v51, v8;
	s23 =	spop (v2sf);
	s18 =	sshrl.u32 s21, $0x10;
	v52 =	vld [tilespmem:s22+$0x0]  }
0x131: {  	v6 =	vmax.f32 v6, v9;
	s24 =	sand.u32 $0xFFFF, s23;
	v53 =	vld [tilespmem:s18+$0x0]  }
0x132: {  	v6 =	vmax.f32 v6, v10;
	s25 =	sshrl.u32 s23, $0x10;
	v54 =	vld [tilespmem:s24+$0x0]  }
0x133: {  	v6 =	vmax.f32 v6, v11;
	v55 =	vld [tilespmem:s25+$0x0]  }
0x134: {  	v6 =	vmax.f32 v6, v12  }
0x135: {  	v6 =	vmax.f32 v6, v13  }
0x136: {  	v6 =	vmax.f32 v6, v14  }
0x137: {  	v6 =	vmax.f32 v6, v15  }
0x138: {  	v6 =	vmax.f32 v6, v16;
	v31 =	vmul.f32 v53, v52;
	v56 =	vmul.f32 v55, v54  }
0x139: {  	v6 =	vmax.f32 v6, v17  }
0x13a: {  	v6 =	vmax.f32 v6, v18;
	v33 =	vmul.f32 v56, v31  }
0x13b: {  	s26 =	spop (v2sf);
	v6 =	vmax.f32 v6, v20  }
0x13c: {  	s28 =	sand.u32 $0xFFFF, s26;
	v6 =	vmax.f32 v6, v21;
	[tilespmem:$0x121E0] =	vst v33  }
0x13d: {  	s18 =	sshrl.u32 s26, $0x10;
	v6 =	vmax.f32 v6, v22;
	s29 =	spop (v2sf);
	v57 =	vld [tilespmem:s28+$0x0]  }
0x13e: {  	v6 =	vmax.f32 v6, v23;
	s30 =	sand.u32 $0xFFFF, s29;
	v58 =	vld [tilespmem:s18+$0x0]  }
0x13f: {  	v6 =	vmax.f32 v6, v24;
	s31 =	sshrl.u32 s29, $0x10;
	v59 =	vld [tilespmem:s30+$0x0]  }
0x140: {  	v6 =	vmax.f32 v6, v19;
	v36 =	vld [tilespmem:s31+$0x0]  }
0x141: {  	v6 =	vmax.f32 v6, v25  }
0x142: {  	v6 =	vmax.f32 v6, v26  }
0x143: {  	v6 =	vmax.f32 v6, v27  }
0x144: {  	v6 =	vmax.f32 v6, v28  }
0x145: {  	v6 =	vmax.f32 v6, v29;
	v31 =	vmul.f32 v58, v57;
	v60 =	vmul.f32 v36, v59  }
0x146: {  	v6 =	vmax.f32 v6, v30  }
0x147: {  	v61 =	vmax.f32 v6, v32;
	v6 =	vmul.f32 v60, v31  }
0x148: {  	v62 =	vmax.f32 v61, v33  }
0x149: {  	v31 =	vmax.f32 v62, v6  }
0x14a: {  	v1 =	vsub.f32 v1, v31  }
0x14b: {  	v2 =	vsub.f32 v2, v31  }
0x14c: {  	v3 =	vsub.f32 v3, v31;
	v1 =	vmul.f32 $1.000000000e+02, v1  }
0x14d: {  	v2 =	vmul.f32 $1.000000000e+02, v2  }
0x14e: {  	v3 =	vmul.f32 $1.000000000e+02, v3;
	v1 =	vmul.f32 $1.442695020e+00, v1  }
0x14f: {  	v4 =	vsub.f32 v4, v31;
	v2 =	vmul.f32 $1.442695020e+00, v2  }
0x150: {  	(erf) = vpow2.f32 v1;
	v1 =	vmul.f32 $1.442695020e+00, v3  }
0x151: {  	v3 =	vsub.f32 v5, v31;
	(erf) = vpow2.f32 v2;
	v2 =	vmul.f32 $1.000000000e+02, v4  }
0x152: {  	(erf) = vpow2.f32 v1;
	v1 =	vsub.f32 v7, v31  }
0x153: {  	v3 =	vmul.f32 $1.000000000e+02, v3;
	v2 =	vmul.f32 $1.442695020e+00, v2  }
0x154: {  	v1 =	vmul.f32 $1.000000000e+02, v1  }
0x155: {  	(erf) = vpow2.f32 v2;
	v2 =	vmul.f32 $1.442695020e+00, v3;
	v3 =	vsub.f32 v8, v31  }
0x156: {  	v1 =	vmul.f32 $1.442695020e+00, v1  }
0x157: {  	(erf) = vpow2.f32 v2;
	v2 =	vmul.f32 $1.000000000e+02, v3;
	v3 =	vsub.f32 v9, v31;
	_ =	sdelay $0x1  }
0x158: {  	v2 =	vmul.f32 $1.442695020e+00, v2;
	v3 =	vmul.f32 $1.000000000e+02, v3  }
0x159: {  	v8 =	vsub.f32 v10, v31;
	(erf) = vpow2.f32 v1;
	v1 =	vpop (erf)  }
0x15a: {  	v63 =	vpop (erf);
	(erf) = vpow2.f32 v2;
	v2 =	vmul.f32 $1.442695020e+00, v3  }
0x15b: {  	v10 =	vsub.f32 v11, v31;
	v9 =	vmul.f32 $1.000000000e+02, v8;
	v1 =	vadd.f32 v63, v1  }
0x15c: {  	v3 =	vpop (erf);
	(erf) = vpow2.f32 v2;
	v2 =	vsub.f32 v12, v31  }
0x15d: {  	v5 =	vmul.f32 $1.000000000e+02, v10;
	v4 =	vmul.f32 $1.442695020e+00, v9;
	v1 =	vadd.f32 v1, v3  }
0x15e: {  	v3 =	vpop (erf);
	v2 =	vmul.f32 $1.000000000e+02, v2  }
0x15f: {  	v11 =	vmul.f32 $1.442695020e+00, v5;
	(erf) = vpow2.f32 v4;
	v1 =	vadd.f32 v1, v3  }
0x160: {  	v12 =	vsub.f32 v13, v31;
	v3 =	vpop (erf);
	v2 =	vmul.f32 $1.442695020e+00, v2  }
0x161: {  	v14 =	vsub.f32 v14, v31;
	(erf) = vpow2.f32 v11;
	v1 =	vadd.f32 v1, v3  }
0x162: {  	v13 =	vmul.f32 $1.000000000e+02, v12;
	v3 =	vpop (erf);
	(erf) = vpow2.f32 v2;
	v2 =	vsub.f32 v15, v31  }
0x163: {  	v5 =	vmul.f32 $1.000000000e+02, v14;
	v1 =	vadd.f32 v1, v3  }
0x164: {  	v4 =	vmul.f32 $1.442695020e+00, v13;
	v3 =	vpop (erf);
	v2 =	vmul.f32 $1.000000000e+02, v2  }
0x165: {  	v34 =	vsub.f32 v16, v31;
	v15 =	vmul.f32 $1.442695020e+00, v5;
	v1 =	vadd.f32 v1, v3  }
0x166: {  	v35 =	vsub.f32 v17, v31;
	(erf) = vpow2.f32 v4;
	v3 =	vpop (erf);
	v2 =	vmul.f32 $1.442695020e+00, v2  }
0x167: {  	(erf) = vpow2.f32 v15;
	v1 =	vadd.f32 v1, v3;
	v3 =	vmul.f32 $1.000000000e+02, v34  }
0x168: {  	v36 =	vpop (erf);
	(erf) = vpow2.f32 v2  }
0x169: {  	v2 =	vmul.f32 $1.442695020e+00, v3;
	v3 =	vmul.f32 $1.000000000e+02, v35  }
0x16a: {  	v38 =	vsub.f32 v18, v31;
	v1 =	vadd.f32 v1, v36  }
0x16b: {  	v37 =	vpop (erf);
	(erf) = vpow2.f32 v2;
	v2 =	vmul.f32 $1.442695020e+00, v3  }
0x16c: {  	v40 =	vsub.f32 v20, v31;
	v39 =	vmul.f32 $1.000000000e+02, v38;
	v1 =	vadd.f32 v1, v37  }
0x16d: {  	v3 =	vpop (erf);
	(erf) = vpow2.f32 v2;
	v2 =	vsub.f32 v21, v31  }
0x16e: {  	v5 =	vmul.f32 $1.000000000e+02, v40;
	v4 =	vmul.f32 $1.442695020e+00, v39;
	v1 =	vadd.f32 v1, v3  }
0x16f: {  	v3 =	vpop (erf);
	v2 =	vmul.f32 $1.000000000e+02, v2  }
0x170: {  	v41 =	vmul.f32 $1.442695020e+00, v5;
	(erf) = vpow2.f32 v4;
	v1 =	vadd.f32 v1, v3  }
0x171: {  	v42 =	vsub.f32 v22, v31;
	v3 =	vpop (erf);
	v2 =	vmul.f32 $1.442695020e+00, v2  }
0x172: {  	v44 =	vsub.f32 v23, v31;
	(erf) = vpow2.f32 v41;
	v1 =	vadd.f32 v1, v3  }
0x173: {  	v43 =	vmul.f32 $1.000000000e+02, v42;
	v3 =	vpop (erf);
	(erf) = vpow2.f32 v2;
	v2 =	vsub.f32 v24, v31  }
0x174: {  	v5 =	vmul.f32 $1.000000000e+02, v44;
	v1 =	vadd.f32 v1, v3  }
0x175: {  	v4 =	vmul.f32 $1.442695020e+00, v43;
	v3 =	vpop (erf);
	v2 =	vmul.f32 $1.000000000e+02, v2  }
0x176: {  	v46 =	vsub.f32 v19, v31;
	v45 =	vmul.f32 $1.442695020e+00, v5;
	v1 =	vadd.f32 v1, v3  }
0x177: {  	v47 =	vsub.f32 v25, v31;
	(erf) = vpow2.f32 v4;
	v3 =	vpop (erf);
	v2 =	vmul.f32 $1.442695020e+00, v2  }
0x178: {  	(erf) = vpow2.f32 v45;
	v1 =	vadd.f32 v1, v3;
	v3 =	vmul.f32 $1.000000000e+02, v46  }
0x179: {  	v48 =	vpop (erf);
	(erf) = vpow2.f32 v2  }
0x17a: {  	v2 =	vmul.f32 $1.442695020e+00, v3;
	v3 =	vmul.f32 $1.000000000e+02, v47  }
0x17b: {  	v50 =	vsub.f32 v26, v31;
	v1 =	vadd.f32 v1, v48  }
0x17c: {  	v49 =	vpop (erf);
	(erf) = vpow2.f32 v2;
	v2 =	vmul.f32 $1.442695020e+00, v3  }
0x17d: {  	v52 =	vsub.f32 v27, v31;
	v51 =	vmul.f32 $1.000000000e+02, v50;
	v1 =	vadd.f32 v1, v49  }
0x17e: {  	v3 =	vpop (erf);
	(erf) = vpow2.f32 v2;
	v2 =	vsub.f32 v28, v31  }
0x17f: {  	v5 =	vmul.f32 $1.000000000e+02, v52;
	v4 =	vmul.f32 $1.442695020e+00, v51;
	v1 =	vadd.f32 v1, v3  }
0x180: {  	v3 =	vpop (erf);
	v2 =	vmul.f32 $1.000000000e+02, v2  }
0x181: {  	v53 =	vmul.f32 $1.442695020e+00, v5;
	(erf) = vpow2.f32 v4;
	v1 =	vadd.f32 v1, v3  }
0x182: {  	v54 =	vsub.f32 v29, v31;
	v3 =	vpop (erf);
	v2 =	vmul.f32 $1.442695020e+00, v2  }
0x183: {  	v56 =	vsub.f32 v30, v31;
	v1 =	vadd.f32 v1, v3;
	v3 =	vpop (erf);
	(erf) = vpow2.f32 v53  }
0x184: {  	v55 =	vmul.f32 $1.000000000e+02, v54;
	(erf) = vpow2.f32 v2;
	v2 =	vsub.f32 v32, v31  }
0x185: {  	v5 =	vmul.f32 $1.000000000e+02, v56;
	v1 =	vadd.f32 v1, v3  }
0x186: {  	v4 =	vmul.f32 $1.442695020e+00, v55;
	v3 =	vpop (erf);
	v2 =	vmul.f32 $1.000000000e+02, v2  }
0x187: {  	v58 =	vsub.f32 v33, v31;
	v57 =	vmul.f32 $1.442695020e+00, v5;
	v1 =	vadd.f32 v1, v3  }
0x188: {  	v59 =	vsub.f32 v6, v31;
	(erf) = vpow2.f32 v4;
	v3 =	vpop (erf);
	v2 =	vmul.f32 $1.442695020e+00, v2  }
0x189: {  	(erf) = vpow2.f32 v57;
	v1 =	vadd.f32 v1, v3;
	v3 =	vmul.f32 $1.000000000e+02, v58  }
0x18a: {  	v60 =	vpop (erf);
	(erf) = vpow2.f32 v2  }
0x18b: {  	v2 =	vmul.f32 $1.442695020e+00, v3;
	v3 =	vmul.f32 $1.000000000e+02, v59  }
0x18c: {  	v1 =	vadd.f32 v1, v60  }
0x18d: {  	v61 =	vpop (erf);
	(erf) = vpow2.f32 v2;
	v2 =	vmul.f32 $1.442695020e+00, v3  }
0x18e: {  	v1 =	vadd.f32 v1, v61  }
0x18f: {  	v3 =	vpop (erf)  }
0x190: {  	(erf) = vpow2.f32 v2;
	v1 =	vadd.f32 v1, v3  }
0x191: {  	v2 =	vpop (erf)  }
0x192: {  	v1 =	vadd.f32 v1, v2  }
0x193: {  	v2 =	vpop (erf)  }
0x194: {  	v1 =	vadd.f32 v1, v2  }
0x195: {  	v2 =	vpop (erf)  }
0x196: {  	v1 =	vadd.f32 v1, v2  }
0x197: {  	v2 =	vpop (erf)  }
0x198: {  	v1 =	vadd.f32 v1, v2  }
0x199: {  	v2 =	vpop (erf)  }
0x19a: {  	v1 =	vadd.f32 v1, v2;
	_ =	sdelay $0x1  }
0x19b: {  	v2 =	vand.u32 $0x7FFFFF, v1  }
0x19c: {  	v2 =	vor.u32 $0x3F800000, v2  }
0x19d: {  	v3 =	vadd.f32 $1.000000000e+00, v2;
	_ =	sdelay $0x1  }
0x19e: {  	(erf) = vrcp.f32 v3;
	_ =	sdelay $0x7  }
0x19f: {  	v2 =	vadd.f32 $-1.000000000e+00, v2  }
0x1a0: {  	v3 =	vpop (erf)  }
0x1a1: {  	v2 =	vmul.f32 v3, v2;
	_ =	sdelay $0x1  }
0x1a2: {  	v3 =	vmul.f32 v2, v2;
	_ =	sdelay $0x1  }
0x1a3: {  	v62 =	vmul.f32 $9.090909360e-02, v3;
	_ =	sdelay $0x1  }
0x1a4: {  	v4 =	vadd.f32 $1.111111120e-01, v62;
	_ =	sdelay $0x1  }
0x1a5: {  	v4 =	vmul.f32 v4, v3;
	_ =	sdelay $0x1  }
0x1a6: {  	v4 =	vadd.f32 $1.428571490e-01, v4;
	_ =	sdelay $0x1  }
0x1a7: {  	v4 =	vmul.f32 v4, v3;
	_ =	sdelay $0x1  }
0x1a8: {  	v4 =	vadd.f32 $2.000000030e-01, v4;
	_ =	sdelay $0x1  }
0x1a9: {  	v4 =	vmul.f32 v4, v3;
	_ =	sdelay $0x1  }
0x1aa: {  	v4 =	vadd.f32 $3.333333430e-01, v4  }
0x1ab: {  	v1 =	vshrl.u32 v1, $0x17  }
0x1ac: {  	v1 =	vand.u32 $0xFF, v1;
	v3 =	vmul.f32 v4, v3  }
0x1ad: {  	v1 =	vadd.s32 $0xFFFFFF81, v1  }
0x1ae: {  	v1 =	vcvt.s32.f32 v1;
	v2 =	vadd.f32 v2, v2;
	v3 =	vadd.f32 $1.000000000e+00, v3  }
0x1af: {  	v63 =	vmov s17  }
0x1b0: {  	v1 =	vmul.f32 $6.931471820e-01, v1;
	v2 =	vmul.f32 v3, v2;
	v3 =	vand.u32 $0x3F, v63  }
0x1b1: {  	v3 =	vbroadcast v3, $0x0  }
0x1b2: {  	v1 =	vadd.f32 v2, v1  }
0x1b3: {  	p1 =	sne.s32 s17, $0x3F;
	v2 =	vor.u32 v0, v3  }
.Ltmp0:
0x1b4: {  	v1 =	vmul.f32 $9.999999770e-03, v1;
	(pc) =	sbr.rel @p1 .LBB2_3-.Ltmp0, $4  }
0x1b5: {  	_ = 	snop  }
0x1b6: {  	v1 =	vadd.f32 v1, v31  }
0x1b7: {  	[tilespmem:$0x121F0] =	vst v6  }
0x1b8: {  	s16 =	sadd.s32 $0x40, s16;
	s17 =	sadd.s32 $0x1, s17;
	[tilespmem:v2+s11+$0x0] =	vst.idx.msk $0xffff, v1  }
0x1b9: {  	s16 =	sshll.u32 s15, $0x6  }
0x1ba: {  	s15 =	sadd.s32 $0x1, s15;
	s16 =	sadd.s32 s6, s16  }
0x1bb: {  	p1 =	sne.s32 s15, $0x8;
	s16 =	sshrl.u32 s16, $0x3  }
.Ltmp1:
0x1bc: {  	s16 =	sadd.s32 s3, s16;
	(pc) =	sbr.rel @p1 .LBB2_2-.Ltmp1, $4  }
0x1bd: {  	[hbm4b:s16+s12] =	stream.strided.scatter [tilespmem:s11], [sflag:$0x3], $0x400, s13, s12, $0x38;
	[tilespmem:$0x12600] =	vst v63  }
0x1be: {  	_ =	swait.ge [sflag:s9], $0x400  }
0x1bf: {  	[sflag:s9] =	ssyncset.done $0x0  }
0x1c0: {  	p0 =	por !p0, !p0;
	[sflag:s9] =	ssyncadd.s32 $0xFFFFFC00  }
0x1c1: {  	s14 =	sadd.s32 $0x1, s14  }
0x1c2: {  	p0 =	sne.s32 s14, s7  }
.Ltmp2:
0x1c3: {  	_ = 	snop;
	(pc) =	sbr.rel @p0 .LBB2_1-.Ltmp2, $1  }
0x1c4: {  	_ =	sdelay $0x3  }
0x1c5: {  	_ =	sfence.sel $0x180000  }
0x1c6: {  	[bflag:$0x0] =	sbarrier.arrive $0xFFFF  }
0x1c7: {  	p0 =	sne.s32 s1, $0x0;
	_ =	strace $0x90000047  }
0x1c8: {  	s0 =	sadd.s32 @!p0 $0x100000, s0;
	[bflag:$0x2] =	sbarrier.arrive $0xFFFF  }
0x1c9: {  	[sflag:s0] =	ssyncadd.tile.s32 @!p0 $0x1;
	_ =	shalt  }
.Lfunc_end2:
_tile_overlayer_lowered:
.L_overlay_start_2:
0x1ca: {  	(tag) =	ssettag $0x2  }
0x1cb: {  	s0 =	rddreg [dreg:$0x0];
	s2 =	stileid.u32  }
0x1cc: {  	s1 =	rddreg [dreg:$0x1];
	p0 =	sne.s32 s2, $0x0  }
0x1cd: {  	s3 =	rddreg [dreg:$0x2];
	[bflag:$0x3] =	sbarrier.arrive $0xFFFF;
	s2 =	simm.s32 @!p0 $0x1C03  }
0x1ce: {  	[timem:s3], [sflag:s2] =	dma.local @!p0 [hbm:s0], s1  }
0x1cf: {  	s0 =	simm.s32 @!p0 $0x3  }
0x1d0: {  	_ =	swait.ge @!p0 [sflag:s0], s1  }
0x1d1: {  	s1 =	ssub.s32 @!p0 $0x0, s1;
	[sflag:s0] =	ssyncset.done @!p0 $0x0  }
0x1d2: {  	[sflag:s0] =	ssyncadd.s32 @!p0 s1  }
0x1d3: {  	[bflag:$0x3] =	sbarrier.arrive $0xFFFF  }
0x1d4: {  	_ =	shalt  }

</sc_bundles>
